<compile_context>
chip_gen: v7x
topology: tpu7x:2x2x1
jax: 0.10.2.dev20260603
libtpu: 0.0.44.dev20260713+nightly
codegen_flags: <defaults>
</compile_context>

<pallas_src>
import functools

import jax
import jax.numpy as jnp
from jax import lax
from jax.experimental import pallas as pl
from jax.experimental.pallas import tpu as pltpu
from jax.experimental.pallas import tpu_sc as plsc

BATCH = 4096
SEQ = 200
DIM = 128
SPLIT0 = 128
SPLIT1 = SEQ - SPLIT0
NUM_CORES = 2
NUM_SUBCORES = 16
NW = NUM_CORES * NUM_SUBCORES
S_PER = BATCH // NW
LANES = 16
DCH = DIM // LANES
NCLS = 2
NBUF = 4
TC_BLOCK = 512


def _make_sc_pool_kernel():
    mesh = plsc.VectorSubcoreMesh(core_axis_name="c", subcore_axis_name="s")

    @functools.partial(
        pl.kernel,
        mesh=mesh,
        out_type=jax.ShapeDtypeStruct((BATCH, 1, DIM), jnp.float32),
        compiler_params=pltpu.CompilerParams(
            needs_layout_passes=False,
            skip_device_barrier=True,
            disable_bounds_checks=True,
            disable_semaphore_checks=True,
        ),
        scratch_types=[
            pltpu.VMEM((S_PER * SEQ,), jnp.int32),
            pltpu.VMEM((SEQ, DIM), jnp.float32),
            pltpu.VMEM((SEQ, DIM), jnp.float32),
            pltpu.VMEM((SEQ, DIM), jnp.float32),
            pltpu.VMEM((SEQ, DIM), jnp.float32),
            pltpu.VMEM((NBUF, 1, DIM), jnp.float32),
            pltpu.SemaphoreType.DMA,
            pltpu.SemaphoreType.DMA,
            pltpu.SemaphoreType.DMA,
            pltpu.SemaphoreType.DMA,
            pltpu.SemaphoreType.DMA,
            pltpu.SemaphoreType.DMA,
            pltpu.SemaphoreType.DMA,
            pltpu.SemaphoreType.DMA,
        ],
    )
    def body(idx_hbm, tab_hbm, out_hbm,
             idx_v, rows0, rows1, rows2, rows3, stage_v,
             gsem0, gsem1, gsem2, gsem3, osem0, osem1, osem2, osem3):
        wid = lax.axis_index("s") * NUM_CORES + lax.axis_index("c")
        base = wid * (S_PER * SEQ)
        pltpu.sync_copy(idx_hbm.at[pl.ds(base, S_PER * SEQ)], idx_v)

        rows = (rows0, rows1, rows2, rows3)
        gsems = (gsem0, gsem1, gsem2, gsem3)
        osems = (osem0, osem1, osem2, osem3)

        def fire(s, k):
            off = s * SEQ
            pltpu.async_copy(tab_hbm.at[idx_v.at[pl.ds(off, SPLIT0)]],
                             rows[k].at[pl.ds(0, SPLIT0)], gsems[k])
            pltpu.async_copy(tab_hbm.at[idx_v.at[pl.ds(off + SPLIT0, SPLIT1)]],
                             rows[k].at[pl.ds(SPLIT0, SPLIT1)], gsems[k])

        def drain(s, k):
            off = s * SEQ
            pltpu.make_async_copy(tab_hbm.at[idx_v.at[pl.ds(off, SPLIT0)]],
                                  rows[k].at[pl.ds(0, SPLIT0)], gsems[k]).wait()
            pltpu.make_async_copy(tab_hbm.at[idx_v.at[pl.ds(off + SPLIT0, SPLIT1)]],
                                  rows[k].at[pl.ds(SPLIT0, SPLIT1)], gsems[k]).wait()

        def out_slot_descr(k):
            return pltpu.make_async_copy(stage_v.at[pl.ds(k, 1)],
                                         out_hbm.at[pl.ds(0, 1)], osems[k])

        def accum_and_store(s, k, first_round):
            rb = rows[k]

            def rbody(r, accs):
                return tuple(accs[d] + rb[r, pl.ds(d * LANES, LANES)]
                             for d in range(DCH))

            accs = lax.fori_loop(
                0, SEQ, rbody,
                tuple(jnp.zeros((LANES,), jnp.float32) for _ in range(DCH)))

            if not first_round:
                out_slot_descr(k).wait()
            for d in range(DCH):
                stage_v[k, 0, pl.ds(d * LANES, LANES)] = accs[d]
            pltpu.async_copy(stage_v.at[pl.ds(k, 1)],
                             out_hbm.at[pl.ds(wid * S_PER + s, 1)], osems[k])

        for k in range(NBUF - 1):
            fire(k, k)

        def step(g, carry):
            for k in range(NBUF):
                s = NBUF * g + k
                drain(s, k)

                @pl.when(s + NBUF - 1 < S_PER)
                def _():
                    fire(s + NBUF - 1, (k + NBUF - 1) % NBUF)

                accum_and_store(s, k, first_round=False)
            return carry

        for k in range(NBUF):
            drain(k, k)

            @pl.when(k + NBUF - 1 < S_PER)
            def _():
                fire(k + NBUF - 1, (k + NBUF - 1) % NBUF)

            accum_and_store(k, k, first_round=True)

        lax.fori_loop(1, S_PER // NBUF, step, 0)

        for k in range(NBUF):
            out_slot_descr(k).wait()

    return body


_sc_pool = _make_sc_pool_kernel()


def _tc_linear_body(p_ref, w_ref, b_ref, o_ref):
    o_ref[...] = (
        lax.dot_general(p_ref[...], w_ref[...], (((1,), (0,)), ((), ())),
                        preferred_element_type=jnp.float32) * (1.0 / SEQ)
        + b_ref[...]
    )


_tc_linear = pl.pallas_call(
    _tc_linear_body,
    grid=(BATCH // TC_BLOCK,),
    in_specs=[
        pl.BlockSpec((TC_BLOCK, DIM), lambda i: (i, 0)),
        pl.BlockSpec((DIM, NCLS), lambda i: (0, 0)),
        pl.BlockSpec((1, NCLS), lambda i: (0, 0)),
    ],
    out_specs=pl.BlockSpec((TC_BLOCK, NCLS), lambda i: (i, 0)),
    out_shape=jax.ShapeDtypeStruct((BATCH, NCLS), jnp.float32),
)


def kernel(text_indices, emb_table, fc_w, fc_b):
    idx = text_indices.astype(jnp.int32).reshape(BATCH * SEQ)
    pooled = _sc_pool(idx, emb_table).reshape(BATCH, DIM)
    wt = fc_w.astype(jnp.float32).T
    return _tc_linear(pooled, wt, fc_b.astype(jnp.float32).reshape(1, NCLS))

# --- scband reference (transcript-rebuilt; emitter-appended) ---
"""Pipeline reference for scband-diabetes-risk-text-classifier-2731599200738 (READ-ONLY COPY).

The authoritative reference and input builder live on the scoring server;
editing this copy changes nothing except your own understanding.
"""

import jax, jax.numpy as jnp
import numpy as np

VOCAB = 1000000
EMBED_DIM = 128
NUM_CLASSES = 2
BATCH = 4096
SEQ = 200


def setup_inputs(seed: int = 0) -> dict:
    key = jax.random.key(seed)
    k_idx, k_emb, k_w, k_b = jax.random.split(key, 4)
    text_indices = jax.random.randint(k_idx, (BATCH, SEQ), 0, VOCAB, dtype=jnp.int64 if jax.config.jax_enable_x64 else jnp.int32)
    emb_table = jax.random.normal(k_emb, (VOCAB, EMBED_DIM), dtype=jnp.float32)
    fc_w = jax.random.normal(k_w, (NUM_CLASSES, EMBED_DIM), dtype=jnp.float32) * (1.0 / np.sqrt(EMBED_DIM))
    fc_b = jax.random.normal(k_b, (NUM_CLASSES,), dtype=jnp.float32) * 0.01
    return {"text_indices": text_indices, "emb_table": emb_table, "fc_w": fc_w, "fc_b": fc_b}


def reference(text_indices, emb_table, fc_w, fc_b):
    # nn.Embedding: gather rows
    embedded = jnp.take(emb_table, text_indices, axis=0)  # [B, L, D]
    # permute(0,2,1) + AdaptiveAvgPool1d(1) + squeeze(2) == mean over sequence axis
    pooled = jnp.mean(embedded, axis=1)  # [B, D]
    # nn.Linear
    logits = pooled @ fc_w.T + fc_b  # [B, num_classes]
    return logits

if __name__ == "__main__":
    import jax
    _d = setup_inputs()
    print(jax.jit(kernel)(*tuple(_d.values())))

</pallas_src>

<mosaic_0001>
#map = affine_map<(d0, d1) -> (0)>
#map1 = affine_map<(d0, d1) -> (0, 0)>
#map2 = affine_map<(d0, d1) -> (0, 0, 0)>
module attributes {stable_mosaic.version = 14 : i64} {
  func.func @body(%arg0: i32, %arg1: i32, %arg2: memref<819200xi32, #tpu.memory_space<hbm>>, %arg3: memref<1000000x128xf32, #tpu.memory_space<hbm>>, %arg4: memref<4096x1x128xf32, #tpu.memory_space<hbm>>, %arg5: memref<25600xi32, #tpu.memory_space<vmem>>, %arg6: memref<200x128xf32, #tpu.memory_space<vmem>>, %arg7: memref<200x128xf32, #tpu.memory_space<vmem>>, %arg8: memref<200x128xf32, #tpu.memory_space<vmem>>, %arg9: memref<200x128xf32, #tpu.memory_space<vmem>>, %arg10: memref<4x1x128xf32, #tpu.memory_space<vmem>>, %arg11: memref<!tpu.dma_semaphore, #tpu.memory_space<semaphore_mem>>, %arg12: memref<!tpu.dma_semaphore, #tpu.memory_space<semaphore_mem>>, %arg13: memref<!tpu.dma_semaphore, #tpu.memory_space<semaphore_mem>>, %arg14: memref<!tpu.dma_semaphore, #tpu.memory_space<semaphore_mem>>, %arg15: memref<!tpu.dma_semaphore, #tpu.memory_space<semaphore_mem>>, %arg16: memref<!tpu.dma_semaphore, #tpu.memory_space<semaphore_mem>>, %arg17: memref<!tpu.dma_semaphore, #tpu.memory_space<semaphore_mem>>, %arg18: memref<!tpu.dma_semaphore, #tpu.memory_space<semaphore_mem>>) attributes {dimension_semantics = [#tpu.dimension_semantics<core_parallel>, #tpu.dimension_semantics<subcore_parallel>], iteration_bounds = array<i64: 2, 16>, scalar_prefetch = 0 : i64, scratch_operands = 14 : i64, tpu.core_type = #tpu.core_type<sc_vector_subcore>, window_params = [{transform_indices = #map}, {transform_indices = #map1}, {transform_indices = #map2}]} {
    %mul3A = arith.constant 2 : i32
    %mul3A_0 = arith.muli %arg1, %mul3A : i32
    %add3A = arith.addi %mul3A_0, %arg0 : i32
    %mul3A_1 = arith.constant 25600 : i32
    %mul3A_2 = arith.muli %add3A, %mul3A_1 : i32
    "tpu.region"() ({
      %run_scoped3A = tpu.sem_alloc : memref<!tpu.dma_semaphore, #tpu.memory_space<semaphore_mem>>
      %dma_start3A_596 = tpu.memref_slice %arg2[%mul3A_2] : memref<819200xi32, #tpu.memory_space<hbm>> -> memref<25600xi32, #tpu.memory_space<hbm>>
      %dma_start3A_597 = tpu.memref_slice %arg2[%mul3A_2] : memref<819200xi32, #tpu.memory_space<hbm>> -> memref<25600xi32, #tpu.memory_space<hbm>>
      tpu.enqueue_dma source(%dma_start3A_597 : memref<25600xi32, #tpu.memory_space<hbm>>) target(%arg5 : memref<25600xi32, #tpu.memory_space<vmem>>) target_semaphore(%run_scoped3A : memref<!tpu.dma_semaphore, #tpu.memory_space<semaphore_mem>>)
      %dma_wait3A_598 = tpu.memref_slice %arg2[%mul3A_2] : memref<819200xi32, #tpu.memory_space<hbm>> -> memref<25600xi32, #tpu.memory_space<hbm>>
      %dma_wait3A_599 = tpu.memref_slice %arg2[%mul3A_2] : memref<819200xi32, #tpu.memory_space<hbm>> -> memref<25600xi32, #tpu.memory_space<hbm>>
      tpu.wait_dma2 semaphore(%run_scoped3A : memref<!tpu.dma_semaphore, #tpu.memory_space<semaphore_mem>>) src(%dma_wait3A_599 : memref<25600xi32, #tpu.memory_space<hbm>>) dst(%arg5 : memref<25600xi32, #tpu.memory_space<vmem>>)
      tpu.yield
    }) : () -> ()
    %dma_start3A = arith.constant 0 : i32
    %dma_start3A_3 = arith.constant 0 : i32
    %dma_start3A_4 = tpu.memref_slice %arg6[%dma_start3A, %dma_start3A_3] : memref<200x128xf32, #tpu.memory_space<vmem>> -> memref<128x128xf32, #tpu.memory_space<vmem>>
    %dma_start3A_5 = arith.constant 0 : i32
    %dma_start3A_6 = tpu.memref_slice %arg5[%dma_start3A_5] : memref<25600xi32, #tpu.memory_space<vmem>> -> memref<128xi32, #tpu.memory_space<vmem>>
    %dma_start3A_7 = arith.constant 0 : i32
    %dma_start3A_8 = arith.constant 0 : i32
    %dma_start3A_9 = tpu.memref_slice %arg3[%dma_start3A_7, %dma_start3A_8] : memref<1000000x128xf32, #tpu.memory_space<hbm>> -> memref<1000000x128xf32, #tpu.memory_space<hbm>>
    tpu.enqueue_indirect_dma source(%dma_start3A_9 : memref<1000000x128xf32, #tpu.memory_space<hbm>>) target(%dma_start3A_4 : memref<128x128xf32, #tpu.memory_space<vmem>>) offsets(%dma_start3A_6 : memref<128xi32, #tpu.memory_space<vmem>>) semaphore(%arg11 : memref<!tpu.dma_semaphore, #tpu.memory_space<semaphore_mem>>)
    %dma_start3A_10 = arith.constant 128 : i32
    %dma_start3A_11 = arith.constant 0 : i32
    %dma_start3A_12 = tpu.memref_slice %arg6[%dma_start3A_10, %dma_start3A_11] : memref<200x128xf32, #tpu.memory_space<vmem>> -> memref<72x128xf32, #tpu.memory_space<vmem>>
    %dma_start3A_13 = arith.constant 128 : i32
    %dma_start3A_14 = tpu.memref_slice %arg5[%dma_start3A_13] : memref<25600xi32, #tpu.memory_space<vmem>> -> memref<72xi32, #tpu.memory_space<vmem>>
    %dma_start3A_15 = arith.constant 0 : i32
    %dma_start3A_16 = arith.constant 0 : i32
    %dma_start3A_17 = tpu.memref_slice %arg3[%dma_start3A_15, %dma_start3A_16] : memref<1000000x128xf32, #tpu.memory_space<hbm>> -> memref<1000000x128xf32, #tpu.memory_space<hbm>>
    tpu.enqueue_indirect_dma source(%dma_start3A_17 : memref<1000000x128xf32, #tpu.memory_space<hbm>>) target(%dma_start3A_12 : memref<72x128xf32, #tpu.memory_space<vmem>>) offsets(%dma_start3A_14 : memref<72xi32, #tpu.memory_space<vmem>>) semaphore(%arg11 : memref<!tpu.dma_semaphore, #tpu.memory_space<semaphore_mem>>)
    %dma_start3A_18 = arith.constant 0 : i32
    %dma_start3A_19 = arith.constant 0 : i32
    %dma_start3A_20 = tpu.memref_slice %arg7[%dma_start3A_18, %dma_start3A_19] : memref<200x128xf32, #tpu.memory_space<vmem>> -> memref<128x128xf32, #tpu.memory_space<vmem>>
    %dma_start3A_21 = arith.constant 200 : i32
    %dma_start3A_22 = tpu.memref_slice %arg5[%dma_start3A_21] : memref<25600xi32, #tpu.memory_space<vmem>> -> memref<128xi32, #tpu.memory_space<vmem>>
    %dma_start3A_23 = arith.constant 0 : i32
    %dma_start3A_24 = arith.constant 0 : i32
    %dma_start3A_25 = tpu.memref_slice %arg3[%dma_start3A_23, %dma_start3A_24] : memref<1000000x128xf32, #tpu.memory_space<hbm>> -> memref<1000000x128xf32, #tpu.memory_space<hbm>>
    tpu.enqueue_indirect_dma source(%dma_start3A_25 : memref<1000000x128xf32, #tpu.memory_space<hbm>>) target(%dma_start3A_20 : memref<128x128xf32, #tpu.memory_space<vmem>>) offsets(%dma_start3A_22 : memref<128xi32, #tpu.memory_space<vmem>>) semaphore(%arg12 : memref<!tpu.dma_semaphore, #tpu.memory_space<semaphore_mem>>)
    %dma_start3A_26 = arith.constant 128 : i32
    %dma_start3A_27 = arith.constant 0 : i32
    %dma_start3A_28 = tpu.memref_slice %arg7[%dma_start3A_26, %dma_start3A_27] : memref<200x128xf32, #tpu.memory_space<vmem>> -> memref<72x128xf32, #tpu.memory_space<vmem>>
    %dma_start3A_29 = arith.constant 328 : i32
    %dma_start3A_30 = tpu.memref_slice %arg5[%dma_start3A_29] : memref<25600xi32, #tpu.memory_space<vmem>> -> memref<72xi32, #tpu.memory_space<vmem>>
    %dma_start3A_31 = arith.constant 0 : i32
    %dma_start3A_32 = arith.constant 0 : i32
    %dma_start3A_33 = tpu.memref_slice %arg3[%dma_start3A_31, %dma_start3A_32] : memref<1000000x128xf32, #tpu.memory_space<hbm>> -> memref<1000000x128xf32, #tpu.memory_space<hbm>>
    tpu.enqueue_indirect_dma source(%dma_start3A_33 : memref<1000000x128xf32, #tpu.memory_space<hbm>>) target(%dma_start3A_28 : memref<72x128xf32, #tpu.memory_space<vmem>>) offsets(%dma_start3A_30 : memref<72xi32, #tpu.memory_space<vmem>>) semaphore(%arg12 : memref<!tpu.dma_semaphore, #tpu.memory_space<semaphore_mem>>)
    %dma_start3A_34 = arith.constant 0 : i32
    %dma_start3A_35 = arith.constant 0 : i32
    %dma_start3A_36 = tpu.memref_slice %arg8[%dma_start3A_34, %dma_start3A_35] : memref<200x128xf32, #tpu.memory_space<vmem>> -> memref<128x128xf32, #tpu.memory_space<vmem>>
    %dma_start3A_37 = arith.constant 400 : i32
    %dma_start3A_38 = tpu.memref_slice %arg5[%dma_start3A_37] : memref<25600xi32, #tpu.memory_space<vmem>> -> memref<128xi32, #tpu.memory_space<vmem>>
    %dma_start3A_39 = arith.constant 0 : i32
    %dma_start3A_40 = arith.constant 0 : i32
    %dma_start3A_41 = tpu.memref_slice %arg3[%dma_start3A_39, %dma_start3A_40] : memref<1000000x128xf32, #tpu.memory_space<hbm>> -> memref<1000000x128xf32, #tpu.memory_space<hbm>>
    tpu.enqueue_indirect_dma source(%dma_start3A_41 : memref<1000000x128xf32, #tpu.memory_space<hbm>>) target(%dma_start3A_36 : memref<128x128xf32, #tpu.memory_space<vmem>>) offsets(%dma_start3A_38 : memref<128xi32, #tpu.memory_space<vmem>>) semaphore(%arg13 : memref<!tpu.dma_semaphore, #tpu.memory_space<semaphore_mem>>)
    %dma_start3A_42 = arith.constant 128 : i32
    %dma_start3A_43 = arith.constant 0 : i32
    %dma_start3A_44 = tpu.memref_slice %arg8[%dma_start3A_42, %dma_start3A_43] : memref<200x128xf32, #tpu.memory_space<vmem>> -> memref<72x128xf32, #tpu.memory_space<vmem>>
    %dma_start3A_45 = arith.constant 528 : i32
    %dma_start3A_46 = tpu.memref_slice %arg5[%dma_start3A_45] : memref<25600xi32, #tpu.memory_space<vmem>> -> memref<72xi32, #tpu.memory_space<vmem>>
    %dma_start3A_47 = arith.constant 0 : i32
    %dma_start3A_48 = arith.constant 0 : i32
    %dma_start3A_49 = tpu.memref_slice %arg3[%dma_start3A_47, %dma_start3A_48] : memref<1000000x128xf32, #tpu.memory_space<hbm>> -> memref<1000000x128xf32, #tpu.memory_space<hbm>>
    tpu.enqueue_indirect_dma source(%dma_start3A_49 : memref<1000000x128xf32, #tpu.memory_space<hbm>>) target(%dma_start3A_44 : memref<72x128xf32, #tpu.memory_space<vmem>>) offsets(%dma_start3A_46 : memref<72xi32, #tpu.memory_space<vmem>>) semaphore(%arg13 : memref<!tpu.dma_semaphore, #tpu.memory_space<semaphore_mem>>)
    %dma_wait3A = arith.constant 0 : i32
    %dma_wait3A_50 = arith.constant 0 : i32
    %dma_wait3A_51 = tpu.memref_slice %arg6[%dma_wait3A, %dma_wait3A_50] : memref<200x128xf32, #tpu.memory_space<vmem>> -> memref<128x128xf32, #tpu.memory_space<vmem>>
    %dma_wait3A_52 = arith.constant 0 : i32
    %dma_wait3A_53 = tpu.memref_slice %arg5[%dma_wait3A_52] : memref<25600xi32, #tpu.memory_space<vmem>> -> memref<128xi32, #tpu.memory_space<vmem>>
    %dma_wait3A_54 = arith.constant 0 : i32
    %dma_wait3A_55 = arith.constant 0 : i32
    %dma_wait3A_56 = tpu.memref_slice %arg3[%dma_wait3A_54, %dma_wait3A_55] : memref<1000000x128xf32, #tpu.memory_space<hbm>> -> memref<1000000x128xf32, #tpu.memory_space<hbm>>
    tpu.wait_indirect_dma semaphore(%arg11 : memref<!tpu.dma_semaphore, #tpu.memory_space<semaphore_mem>>) src(%dma_wait3A_56 : memref<1000000x128xf32, #tpu.memory_space<hbm>>) dst(%dma_wait3A_51 : memref<128x128xf32, #tpu.memory_space<vmem>>)
    %dma_wait3A_57 = arith.constant 128 : i32
    %dma_wait3A_58 = arith.constant 0 : i32
    %dma_wait3A_59 = tpu.memref_slice %arg6[%dma_wait3A_57, %dma_wait3A_58] : memref<200x128xf32, #tpu.memory_space<vmem>> -> memref<72x128xf32, #tpu.memory_space<vmem>>
    %dma_wait3A_60 = arith.constant 128 : i32
    %dma_wait3A_61 = tpu.memref_slice %arg5[%dma_wait3A_60] : memref<25600xi32, #tpu.memory_space<vmem>> -> memref<72xi32, #tpu.memory_space<vmem>>
    %dma_wait3A_62 = arith.constant 0 : i32
    %dma_wait3A_63 = arith.constant 0 : i32
    %dma_wait3A_64 = tpu.memref_slice %arg3[%dma_wait3A_62, %dma_wait3A_63] : memref<1000000x128xf32, #tpu.memory_space<hbm>> -> memref<1000000x128xf32, #tpu.memory_space<hbm>>
    tpu.wait_indirect_dma semaphore(%arg11 : memref<!tpu.dma_semaphore, #tpu.memory_space<semaphore_mem>>) src(%dma_wait3A_64 : memref<1000000x128xf32, #tpu.memory_space<hbm>>) dst(%dma_wait3A_59 : memref<72x128xf32, #tpu.memory_space<vmem>>)
    %dma_start3A_65 = arith.constant 0 : i32
    %dma_start3A_66 = arith.constant 0 : i32
    %dma_start3A_67 = tpu.memref_slice %arg9[%dma_start3A_65, %dma_start3A_66] : memref<200x128xf32, #tpu.memory_space<vmem>> -> memref<128x128xf32, #tpu.memory_space<vmem>>
    %dma_start3A_68 = arith.constant 600 : i32
    %dma_start3A_69 = tpu.memref_slice %arg5[%dma_start3A_68] : memref<25600xi32, #tpu.memory_space<vmem>> -> memref<128xi32, #tpu.memory_space<vmem>>
    %dma_start3A_70 = arith.constant 0 : i32
    %dma_start3A_71 = arith.constant 0 : i32
    %dma_start3A_72 = tpu.memref_slice %arg3[%dma_start3A_70, %dma_start3A_71] : memref<1000000x128xf32, #tpu.memory_space<hbm>> -> memref<1000000x128xf32, #tpu.memory_space<hbm>>
    tpu.enqueue_indirect_dma source(%dma_start3A_72 : memref<1000000x128xf32, #tpu.memory_space<hbm>>) target(%dma_start3A_67 : memref<128x128xf32, #tpu.memory_space<vmem>>) offsets(%dma_start3A_69 : memref<128xi32, #tpu.memory_space<vmem>>) semaphore(%arg14 : memref<!tpu.dma_semaphore, #tpu.memory_space<semaphore_mem>>)
    %dma_start3A_73 = arith.constant 128 : i32
    %dma_start3A_74 = arith.constant 0 : i32
    %dma_start3A_75 = tpu.memref_slice %arg9[%dma_start3A_73, %dma_start3A_74] : memref<200x128xf32, #tpu.memory_space<vmem>> -> memref<72x128xf32, #tpu.memory_space<vmem>>
    %dma_start3A_76 = arith.constant 728 : i32
    %dma_start3A_77 = tpu.memref_slice %arg5[%dma_start3A_76] : memref<25600xi32, #tpu.memory_space<vmem>> -> memref<72xi32, #tpu.memory_space<vmem>>
    %dma_start3A_78 = arith.constant 0 : i32
    %dma_start3A_79 = arith.constant 0 : i32
    %dma_start3A_80 = tpu.memref_slice %arg3[%dma_start3A_78, %dma_start3A_79] : memref<1000000x128xf32, #tpu.memory_space<hbm>> -> memref<1000000x128xf32, #tpu.memory_space<hbm>>
    tpu.enqueue_indirect_dma source(%dma_start3A_80 : memref<1000000x128xf32, #tpu.memory_space<hbm>>) target(%dma_start3A_75 : memref<72x128xf32, #tpu.memory_space<vmem>>) offsets(%dma_start3A_77 : memref<72xi32, #tpu.memory_space<vmem>>) semaphore(%arg14 : memref<!tpu.dma_semaphore, #tpu.memory_space<semaphore_mem>>)
    %broadcast_in_dim3A = arith.constant 0.000000e+00 : f32
    %broadcast_in_dim3A_81 = vector.broadcast %broadcast_in_dim3A : f32 to vector<16xf32>
    %broadcast_in_dim3A_82 = arith.constant 0.000000e+00 : f32
    %broadcast_in_dim3A_83 = vector.broadcast %broadcast_in_dim3A_82 : f32 to vector<16xf32>
    %broadcast_in_dim3A_84 = arith.constant 0.000000e+00 : f32
    %broadcast_in_dim3A_85 = vector.broadcast %broadcast_in_dim3A_84 : f32 to vector<16xf32>
    %broadcast_in_dim3A_86 = arith.constant 0.000000e+00 : f32
    %broadcast_in_dim3A_87 = vector.broadcast %broadcast_in_dim3A_86 : f32 to vector<16xf32>
    %broadcast_in_dim3A_88 = arith.constant 0.000000e+00 : f32
    %broadcast_in_dim3A_89 = vector.broadcast %broadcast_in_dim3A_88 : f32 to vector<16xf32>
    %broadcast_in_dim3A_90 = arith.constant 0.000000e+00 : f32
    %broadcast_in_dim3A_91 = vector.broadcast %broadcast_in_dim3A_90 : f32 to vector<16xf32>
    %broadcast_in_dim3A_92 = arith.constant 0.000000e+00 : f32
    %broadcast_in_dim3A_93 = vector.broadcast %broadcast_in_dim3A_92 : f32 to vector<16xf32>
    %broadcast_in_dim3A_94 = arith.constant 0.000000e+00 : f32
    %broadcast_in_dim3A_95 = vector.broadcast %broadcast_in_dim3A_94 : f32 to vector<16xf32>
    %scan3A = arith.constant 0 : i32
    %scan3A_96 = arith.constant 200 : i32
    %scan3A_97 = arith.addi %scan3A, %scan3A_96 : i32
    %scan3A_98 = arith.constant 1 : i32
    %scan3A_99:8 = scf.for %scan3A_596 = %scan3A to %scan3A_97 step %scan3A_98 iter_args(%scan3A_597 = %broadcast_in_dim3A_81, %scan3A_598 = %broadcast_in_dim3A_83, %scan3A_599 = %broadcast_in_dim3A_85, %scan3A_600 = %broadcast_in_dim3A_87, %scan3A_601 = %broadcast_in_dim3A_89, %scan3A_602 = %broadcast_in_dim3A_91, %scan3A_603 = %broadcast_in_dim3A_93, %scan3A_604 = %broadcast_in_dim3A_95) -> (vector<16xf32>, vector<16xf32>, vector<16xf32>, vector<16xf32>, vector<16xf32>, vector<16xf32>, vector<16xf32>, vector<16xf32>)  : i32 {
      %get3A = arith.index_cast %scan3A_596 : i32 to index
      %get3A_605 = arith.constant 0 : index
      %get3A_606 = tpu.vector_load %arg6[%get3A, %get3A_605] {strides = array<i32>} : memref<200x128xf32, #tpu.memory_space<vmem>>, vector<16xf32>,
      %add3A_607 = arith.addf %scan3A_597, %get3A_606 : vector<16xf32>
      %get3A_608 = arith.index_cast %scan3A_596 : i32 to index
      %get3A_609 = arith.constant 16 : index
      %get3A_610 = tpu.vector_load %arg6[%get3A_608, %get3A_609] {strides = array<i32>} : memref<200x128xf32, #tpu.memory_space<vmem>>, vector<16xf32>,
      %add3A_611 = arith.addf %scan3A_598, %get3A_610 : vector<16xf32>
      %get3A_612 = arith.index_cast %scan3A_596 : i32 to index
      %get3A_613 = arith.constant 32 : index
      %get3A_614 = tpu.vector_load %arg6[%get3A_612, %get3A_613] {strides = array<i32>} : memref<200x128xf32, #tpu.memory_space<vmem>>, vector<16xf32>,
      %add3A_615 = arith.addf %scan3A_599, %get3A_614 : vector<16xf32>
      %get3A_616 = arith.index_cast %scan3A_596 : i32 to index
      %get3A_617 = arith.constant 48 : index
      %get3A_618 = tpu.vector_load %arg6[%get3A_616, %get3A_617] {strides = array<i32>} : memref<200x128xf32, #tpu.memory_space<vmem>>, vector<16xf32>,
      %add3A_619 = arith.addf %scan3A_600, %get3A_618 : vector<16xf32>
      %get3A_620 = arith.index_cast %scan3A_596 : i32 to index
      %get3A_621 = arith.constant 64 : index
      %get3A_622 = tpu.vector_load %arg6[%get3A_620, %get3A_621] {strides = array<i32>} : memref<200x128xf32, #tpu.memory_space<vmem>>, vector<16xf32>,
      %add3A_623 = arith.addf %scan3A_601, %get3A_622 : vector<16xf32>
      %get3A_624 = arith.index_cast %scan3A_596 : i32 to index
      %get3A_625 = arith.constant 80 : index
      %get3A_626 = tpu.vector_load %arg6[%get3A_624, %get3A_625] {strides = array<i32>} : memref<200x128xf32, #tpu.memory_space<vmem>>, vector<16xf32>,
      %add3A_627 = arith.addf %scan3A_602, %get3A_626 : vector<16xf32>
      %get3A_628 = arith.index_cast %scan3A_596 : i32 to index
      %get3A_629 = arith.constant 96 : index
      %get3A_630 = tpu.vector_load %arg6[%get3A_628, %get3A_629] {strides = array<i32>} : memref<200x128xf32, #tpu.memory_space<vmem>>, vector<16xf32>,
      %add3A_631 = arith.addf %scan3A_603, %get3A_630 : vector<16xf32>
      %get3A_632 = arith.index_cast %scan3A_596 : i32 to index
      %get3A_633 = arith.constant 112 : index
      %get3A_634 = tpu.vector_load %arg6[%get3A_632, %get3A_633] {strides = array<i32>} : memref<200x128xf32, #tpu.memory_space<vmem>>, vector<16xf32>,
      %add3A_635 = arith.addf %scan3A_604, %get3A_634 : vector<16xf32>
      scf.yield %add3A_607, %add3A_611, %add3A_615, %add3A_619, %add3A_623, %add3A_627, %add3A_631, %add3A_635 : vector<16xf32>, vector<16xf32>, vector<16xf32>, vector<16xf32>, vector<16xf32>, vector<16xf32>, vector<16xf32>, vector<16xf32>
    }
    %scan3A_100 = arith.constant 200 : i32
    %swap3A = arith.constant 0 : i32
    %swap3A_101 = arith.constant 0 : i32
    %swap3A_102 = arith.index_cast %swap3A : i32 to index
    %swap3A_103 = arith.index_cast %swap3A_101 : i32 to index
    %swap3A_104 = arith.constant 0 : index
    %swap3A_105 = tpu.vector_load %arg10[%swap3A_102, %swap3A_103, %swap3A_104] {strides = array<i32>} : memref<4x1x128xf32, #tpu.memory_space<vmem>>, vector<16xf32>,
    tpu.vector_store %arg10[%swap3A_102, %swap3A_103, %swap3A_104], %scan3A_99#0 {strides = array<i32>} : memref<4x1x128xf32, #tpu.memory_space<vmem>>, vector<16xf32>,
    %swap3A_106 = arith.constant 0 : i32
    %swap3A_107 = arith.constant 0 : i32
    %swap3A_108 = arith.index_cast %swap3A_106 : i32 to index
    %swap3A_109 = arith.index_cast %swap3A_107 : i32 to index
    %swap3A_110 = arith.constant 16 : index
    %swap3A_111 = tpu.vector_load %arg10[%swap3A_108, %swap3A_109, %swap3A_110] {strides = array<i32>} : memref<4x1x128xf32, #tpu.memory_space<vmem>>, vector<16xf32>,
    tpu.vector_store %arg10[%swap3A_108, %swap3A_109, %swap3A_110], %scan3A_99#1 {strides = array<i32>} : memref<4x1x128xf32, #tpu.memory_space<vmem>>, vector<16xf32>,
    %swap3A_112 = arith.constant 0 : i32
    %swap3A_113 = arith.constant 0 : i32
    %swap3A_114 = arith.index_cast %swap3A_112 : i32 to index
    %swap3A_115 = arith.index_cast %swap3A_113 : i32 to index
    %swap3A_116 = arith.constant 32 : index
    %swap3A_117 = tpu.vector_load %arg10[%swap3A_114, %swap3A_115, %swap3A_116] {strides = array<i32>} : memref<4x1x128xf32, #tpu.memory_space<vmem>>, vector<16xf32>,
    tpu.vector_store %arg10[%swap3A_114, %swap3A_115, %swap3A_116], %scan3A_99#2 {strides = array<i32>} : memref<4x1x128xf32, #tpu.memory_space<vmem>>, vector<16xf32>,
    %swap3A_118 = arith.constant 0 : i32
    %swap3A_119 = arith.constant 0 : i32
    %swap3A_120 = arith.index_cast %swap3A_118 : i32 to index
    %swap3A_121 = arith.index_cast %swap3A_119 : i32 to index
    %swap3A_122 = arith.constant 48 : index
    %swap3A_123 = tpu.vector_load %arg10[%swap3A_120, %swap3A_121, %swap3A_122] {strides = array<i32>} : memref<4x1x128xf32, #tpu.memory_space<vmem>>, vector<16xf32>,
    tpu.vector_store %arg10[%swap3A_120, %swap3A_121, %swap3A_122], %scan3A_99#3 {strides = array<i32>} : memref<4x1x128xf32, #tpu.memory_space<vmem>>, vector<16xf32>,
    %swap3A_124 = arith.constant 0 : i32
    %swap3A_125 = arith.constant 0 : i32
    %swap3A_126 = arith.index_cast %swap3A_124 : i32 to index
    %swap3A_127 = arith.index_cast %swap3A_125 : i32 to index
    %swap3A_128 = arith.constant 64 : index
    %swap3A_129 = tpu.vector_load %arg10[%swap3A_126, %swap3A_127, %swap3A_128] {strides = array<i32>} : memref<4x1x128xf32, #tpu.memory_space<vmem>>, vector<16xf32>,
    tpu.vector_store %arg10[%swap3A_126, %swap3A_127, %swap3A_128], %scan3A_99#4 {strides = array<i32>} : memref<4x1x128xf32, #tpu.memory_space<vmem>>, vector<16xf32>,
    %swap3A_130 = arith.constant 0 : i32
    %swap3A_131 = arith.constant 0 : i32
    %swap3A_132 = arith.index_cast %swap3A_130 : i32 to index
    %swap3A_133 = arith.index_cast %swap3A_131 : i32 to index
    %swap3A_134 = arith.constant 80 : index
    %swap3A_135 = tpu.vector_load %arg10[%swap3A_132, %swap3A_133, %swap3A_134] {strides = array<i32>} : memref<4x1x128xf32, #tpu.memory_space<vmem>>, vector<16xf32>,
    tpu.vector_store %arg10[%swap3A_132, %swap3A_133, %swap3A_134], %scan3A_99#5 {strides = array<i32>} : memref<4x1x128xf32, #tpu.memory_space<vmem>>, vector<16xf32>,
    %swap3A_136 = arith.constant 0 : i32
    %swap3A_137 = arith.constant 0 : i32
    %swap3A_138 = arith.index_cast %swap3A_136 : i32 to index
    %swap3A_139 = arith.index_cast %swap3A_137 : i32 to index
    %swap3A_140 = arith.constant 96 : index
    %swap3A_141 = tpu.vector_load %arg10[%swap3A_138, %swap3A_139, %swap3A_140] {strides = array<i32>} : memref<4x1x128xf32, #tpu.memory_space<vmem>>, vector<16xf32>,
    tpu.vector_store %arg10[%swap3A_138, %swap3A_139, %swap3A_140], %scan3A_99#6 {strides = array<i32>} : memref<4x1x128xf32, #tpu.memory_space<vmem>>, vector<16xf32>,
    %swap3A_142 = arith.constant 0 : i32
    %swap3A_143 = arith.constant 0 : i32
    %swap3A_144 = arith.index_cast %swap3A_142 : i32 to index
    %swap3A_145 = arith.index_cast %swap3A_143 : i32 to index
    %swap3A_146 = arith.constant 112 : index
    %swap3A_147 = tpu.vector_load %arg10[%swap3A_144, %swap3A_145, %swap3A_146] {strides = array<i32>} : memref<4x1x128xf32, #tpu.memory_space<vmem>>, vector<16xf32>,
    tpu.vector_store %arg10[%swap3A_144, %swap3A_145, %swap3A_146], %scan3A_99#7 {strides = array<i32>} : memref<4x1x128xf32, #tpu.memory_space<vmem>>, vector<16xf32>,
    %mul3A_148 = arith.constant 128 : i32
    %mul3A_149 = arith.muli %add3A, %mul3A_148 : i32
    %add3A_150 = arith.constant 0 : i32
    %add3A_151 = arith.addi %mul3A_149, %add3A_150 : i32
    %dma_start3A_152 = arith.constant 0 : i32
    %dma_start3A_153 = arith.constant 0 : i32
    %dma_start3A_154 = arith.constant 0 : i32
    %dma_start3A_155 = tpu.memref_slice %arg10[%dma_start3A_152, %dma_start3A_153, %dma_start3A_154] : memref<4x1x128xf32, #tpu.memory_space<vmem>> -> memref<1x1x128xf32, #tpu.memory_space<vmem>>
    %dma_start3A_156 = arith.constant 0 : i32
    %dma_start3A_157 = arith.constant 0 : i32
    %dma_start3A_158 = tpu.memref_slice %arg4[%add3A_151, %dma_start3A_156, %dma_start3A_157] : memref<4096x1x128xf32, #tpu.memory_space<hbm>> -> memref<1x1x128xf32, #tpu.memory_space<hbm>>
    %dma_start3A_159 = arith.constant 0 : i32
    %dma_start3A_160 = arith.constant 0 : i32
    %dma_start3A_161 = tpu.memref_slice %arg4[%add3A_151, %dma_start3A_159, %dma_start3A_160] : memref<4096x1x128xf32, #tpu.memory_space<hbm>> -> memref<1x1x128xf32, #tpu.memory_space<hbm>>
    %dma_start3A_162 = arith.constant 0 : i32
    %dma_start3A_163 = arith.constant 0 : i32
    %dma_start3A_164 = arith.constant 0 : i32
    %dma_start3A_165 = tpu.memref_slice %arg10[%dma_start3A_162, %dma_start3A_163, %dma_start3A_164] : memref<4x1x128xf32, #tpu.memory_space<vmem>> -> memref<1x1x128xf32, #tpu.memory_space<vmem>>
    tpu.enqueue_dma source(%dma_start3A_165 : memref<1x1x128xf32, #tpu.memory_space<vmem>>) target(%dma_start3A_161 : memref<1x1x128xf32, #tpu.memory_space<hbm>>) target_semaphore(%arg15 : memref<!tpu.dma_semaphore, #tpu.memory_space<semaphore_mem>>)
    %dma_wait3A_166 = arith.constant 0 : i32
    %dma_wait3A_167 = arith.constant 0 : i32
    %dma_wait3A_168 = tpu.memref_slice %arg7[%dma_wait3A_166, %dma_wait3A_167] : memref<200x128xf32, #tpu.memory_space<vmem>> -> memref<128x128xf32, #tpu.memory_space<vmem>>
    %dma_wait3A_169 = arith.constant 200 : i32
    %dma_wait3A_170 = tpu.memref_slice %arg5[%dma_wait3A_169] : memref<25600xi32, #tpu.memory_space<vmem>> -> memref<128xi32, #tpu.memory_space<vmem>>
    %dma_wait3A_171 = arith.constant 0 : i32
    %dma_wait3A_172 = arith.constant 0 : i32
    %dma_wait3A_173 = tpu.memref_slice %arg3[%dma_wait3A_171, %dma_wait3A_172] : memref<1000000x128xf32, #tpu.memory_space<hbm>> -> memref<1000000x128xf32, #tpu.memory_space<hbm>>
    tpu.wait_indirect_dma semaphore(%arg12 : memref<!tpu.dma_semaphore, #tpu.memory_space<semaphore_mem>>) src(%dma_wait3A_173 : memref<1000000x128xf32, #tpu.memory_space<hbm>>) dst(%dma_wait3A_168 : memref<128x128xf32, #tpu.memory_space<vmem>>)
    %dma_wait3A_174 = arith.constant 128 : i32
    %dma_wait3A_175 = arith.constant 0 : i32
    %dma_wait3A_176 = tpu.memref_slice %arg7[%dma_wait3A_174, %dma_wait3A_175] : memref<200x128xf32, #tpu.memory_space<vmem>> -> memref<72x128xf32, #tpu.memory_space<vmem>>
    %dma_wait3A_177 = arith.constant 328 : i32
    %dma_wait3A_178 = tpu.memref_slice %arg5[%dma_wait3A_177] : memref<25600xi32, #tpu.memory_space<vmem>> -> memref<72xi32, #tpu.memory_space<vmem>>
    %dma_wait3A_179 = arith.constant 0 : i32
    %dma_wait3A_180 = arith.constant 0 : i32
    %dma_wait3A_181 = tpu.memref_slice %arg3[%dma_wait3A_179, %dma_wait3A_180] : memref<1000000x128xf32, #tpu.memory_space<hbm>> -> memref<1000000x128xf32, #tpu.memory_space<hbm>>
    tpu.wait_indirect_dma semaphore(%arg12 : memref<!tpu.dma_semaphore, #tpu.memory_space<semaphore_mem>>) src(%dma_wait3A_181 : memref<1000000x128xf32, #tpu.memory_space<hbm>>) dst(%dma_wait3A_176 : memref<72x128xf32, #tpu.memory_space<vmem>>)
    %dma_start3A_182 = arith.constant 0 : i32
    %dma_start3A_183 = arith.constant 0 : i32
    %dma_start3A_184 = tpu.memref_slice %arg6[%dma_start3A_182, %dma_start3A_183] : memref<200x128xf32, #tpu.memory_space<vmem>> -> memref<128x128xf32, #tpu.memory_space<vmem>>
    %dma_start3A_185 = arith.constant 800 : i32
    %dma_start3A_186 = tpu.memref_slice %arg5[%dma_start3A_185] : memref<25600xi32, #tpu.memory_space<vmem>> -> memref<128xi32, #tpu.memory_space<vmem>>
    %dma_start3A_187 = arith.constant 0 : i32
    %dma_start3A_188 = arith.constant 0 : i32
    %dma_start3A_189 = tpu.memref_slice %arg3[%dma_start3A_187, %dma_start3A_188] : memref<1000000x128xf32, #tpu.memory_space<hbm>> -> memref<1000000x128xf32, #tpu.memory_space<hbm>>
    tpu.enqueue_indirect_dma source(%dma_start3A_189 : memref<1000000x128xf32, #tpu.memory_space<hbm>>) target(%dma_start3A_184 : memref<128x128xf32, #tpu.memory_space<vmem>>) offsets(%dma_start3A_186 : memref<128xi32, #tpu.memory_space<vmem>>) semaphore(%arg11 : memref<!tpu.dma_semaphore, #tpu.memory_space<semaphore_mem>>)
    %dma_start3A_190 = arith.constant 128 : i32
    %dma_start3A_191 = arith.constant 0 : i32
    %dma_start3A_192 = tpu.memref_slice %arg6[%dma_start3A_190, %dma_start3A_191] : memref<200x128xf32, #tpu.memory_space<vmem>> -> memref<72x128xf32, #tpu.memory_space<vmem>>
    %dma_start3A_193 = arith.constant 928 : i32
    %dma_start3A_194 = tpu.memref_slice %arg5[%dma_start3A_193] : memref<25600xi32, #tpu.memory_space<vmem>> -> memref<72xi32, #tpu.memory_space<vmem>>
    %dma_start3A_195 = arith.constant 0 : i32
    %dma_start3A_196 = arith.constant 0 : i32
    %dma_start3A_197 = tpu.memref_slice %arg3[%dma_start3A_195, %dma_start3A_196] : memref<1000000x128xf32, #tpu.memory_space<hbm>> -> memref<1000000x128xf32, #tpu.memory_space<hbm>>
    tpu.enqueue_indirect_dma source(%dma_start3A_197 : memref<1000000x128xf32, #tpu.memory_space<hbm>>) target(%dma_start3A_192 : memref<72x128xf32, #tpu.memory_space<vmem>>) offsets(%dma_start3A_194 : memref<72xi32, #tpu.memory_space<vmem>>) semaphore(%arg11 : memref<!tpu.dma_semaphore, #tpu.memory_space<semaphore_mem>>)
    %broadcast_in_dim3A_198 = arith.constant 0.000000e+00 : f32
    %broadcast_in_dim3A_199 = vector.broadcast %broadcast_in_dim3A_198 : f32 to vector<16xf32>
    %broadcast_in_dim3A_200 = arith.constant 0.000000e+00 : f32
    %broadcast_in_dim3A_201 = vector.broadcast %broadcast_in_dim3A_200 : f32 to vector<16xf32>
    %broadcast_in_dim3A_202 = arith.constant 0.000000e+00 : f32
    %broadcast_in_dim3A_203 = vector.broadcast %broadcast_in_dim3A_202 : f32 to vector<16xf32>
    %broadcast_in_dim3A_204 = arith.constant 0.000000e+00 : f32
    %broadcast_in_dim3A_205 = vector.broadcast %broadcast_in_dim3A_204 : f32 to vector<16xf32>
    %broadcast_in_dim3A_206 = arith.constant 0.000000e+00 : f32
    %broadcast_in_dim3A_207 = vector.broadcast %broadcast_in_dim3A_206 : f32 to vector<16xf32>
    %broadcast_in_dim3A_208 = arith.constant 0.000000e+00 : f32
    %broadcast_in_dim3A_209 = vector.broadcast %broadcast_in_dim3A_208 : f32 to vector<16xf32>
    %broadcast_in_dim3A_210 = arith.constant 0.000000e+00 : f32
    %broadcast_in_dim3A_211 = vector.broadcast %broadcast_in_dim3A_210 : f32 to vector<16xf32>
    %broadcast_in_dim3A_212 = arith.constant 0.000000e+00 : f32
    %broadcast_in_dim3A_213 = vector.broadcast %broadcast_in_dim3A_212 : f32 to vector<16xf32>
    %scan3A_214 = arith.constant 0 : i32
    %scan3A_215 = arith.constant 200 : i32
    %scan3A_216 = arith.addi %scan3A_214, %scan3A_215 : i32
    %scan3A_217 = arith.constant 1 : i32
    %scan3A_218:8 = scf.for %scan3A_596 = %scan3A_214 to %scan3A_216 step %scan3A_217 iter_args(%scan3A_597 = %broadcast_in_dim3A_199, %scan3A_598 = %broadcast_in_dim3A_201, %scan3A_599 = %broadcast_in_dim3A_203, %scan3A_600 = %broadcast_in_dim3A_205, %scan3A_601 = %broadcast_in_dim3A_207, %scan3A_602 = %broadcast_in_dim3A_209, %scan3A_603 = %broadcast_in_dim3A_211, %scan3A_604 = %broadcast_in_dim3A_213) -> (vector<16xf32>, vector<16xf32>, vector<16xf32>, vector<16xf32>, vector<16xf32>, vector<16xf32>, vector<16xf32>, vector<16xf32>)  : i32 {
      %get3A = arith.index_cast %scan3A_596 : i32 to index
      %get3A_605 = arith.constant 0 : index
      %get3A_606 = tpu.vector_load %arg7[%get3A, %get3A_605] {strides = array<i32>} : memref<200x128xf32, #tpu.memory_space<vmem>>, vector<16xf32>,
      %add3A_607 = arith.addf %scan3A_597, %get3A_606 : vector<16xf32>
      %get3A_608 = arith.index_cast %scan3A_596 : i32 to index
      %get3A_609 = arith.constant 16 : index
      %get3A_610 = tpu.vector_load %arg7[%get3A_608, %get3A_609] {strides = array<i32>} : memref<200x128xf32, #tpu.memory_space<vmem>>, vector<16xf32>,
      %add3A_611 = arith.addf %scan3A_598, %get3A_610 : vector<16xf32>
      %get3A_612 = arith.index_cast %scan3A_596 : i32 to index
      %get3A_613 = arith.constant 32 : index
      %get3A_614 = tpu.vector_load %arg7[%get3A_612, %get3A_613] {strides = array<i32>} : memref<200x128xf32, #tpu.memory_space<vmem>>, vector<16xf32>,
      %add3A_615 = arith.addf %scan3A_599, %get3A_614 : vector<16xf32>
      %get3A_616 = arith.index_cast %scan3A_596 : i32 to index
      %get3A_617 = arith.constant 48 : index
      %get3A_618 = tpu.vector_load %arg7[%get3A_616, %get3A_617] {strides = array<i32>} : memref<200x128xf32, #tpu.memory_space<vmem>>, vector<16xf32>,
      %add3A_619 = arith.addf %scan3A_600, %get3A_618 : vector<16xf32>
      %get3A_620 = arith.index_cast %scan3A_596 : i32 to index
      %get3A_621 = arith.constant 64 : index
      %get3A_622 = tpu.vector_load %arg7[%get3A_620, %get3A_621] {strides = array<i32>} : memref<200x128xf32, #tpu.memory_space<vmem>>, vector<16xf32>,
      %add3A_623 = arith.addf %scan3A_601, %get3A_622 : vector<16xf32>
      %get3A_624 = arith.index_cast %scan3A_596 : i32 to index
      %get3A_625 = arith.constant 80 : index
      %get3A_626 = tpu.vector_load %arg7[%get3A_624, %get3A_625] {strides = array<i32>} : memref<200x128xf32, #tpu.memory_space<vmem>>, vector<16xf32>,
      %add3A_627 = arith.addf %scan3A_602, %get3A_626 : vector<16xf32>
      %get3A_628 = arith.index_cast %scan3A_596 : i32 to index
      %get3A_629 = arith.constant 96 : index
      %get3A_630 = tpu.vector_load %arg7[%get3A_628, %get3A_629] {strides = array<i32>} : memref<200x128xf32, #tpu.memory_space<vmem>>, vector<16xf32>,
      %add3A_631 = arith.addf %scan3A_603, %get3A_630 : vector<16xf32>
      %get3A_632 = arith.index_cast %scan3A_596 : i32 to index
      %get3A_633 = arith.constant 112 : index
      %get3A_634 = tpu.vector_load %arg7[%get3A_632, %get3A_633] {strides = array<i32>} : memref<200x128xf32, #tpu.memory_space<vmem>>, vector<16xf32>,
      %add3A_635 = arith.addf %scan3A_604, %get3A_634 : vector<16xf32>
      scf.yield %add3A_607, %add3A_611, %add3A_615, %add3A_619, %add3A_623, %add3A_627, %add3A_631, %add3A_635 : vector<16xf32>, vector<16xf32>, vector<16xf32>, vector<16xf32>, vector<16xf32>, vector<16xf32>, vector<16xf32>, vector<16xf32>
    }
    %scan3A_219 = arith.constant 200 : i32
    %swap3A_220 = arith.constant 1 : i32
    %swap3A_221 = arith.constant 0 : i32
    %swap3A_222 = arith.index_cast %swap3A_220 : i32 to index
    %swap3A_223 = arith.index_cast %swap3A_221 : i32 to index
    %swap3A_224 = arith.constant 0 : index
    %swap3A_225 = tpu.vector_load %arg10[%swap3A_222, %swap3A_223, %swap3A_224] {strides = array<i32>} : memref<4x1x128xf32, #tpu.memory_space<vmem>>, vector<16xf32>,
    tpu.vector_store %arg10[%swap3A_222, %swap3A_223, %swap3A_224], %scan3A_218#0 {strides = array<i32>} : memref<4x1x128xf32, #tpu.memory_space<vmem>>, vector<16xf32>,
    %swap3A_226 = arith.constant 1 : i32
    %swap3A_227 = arith.constant 0 : i32
    %swap3A_228 = arith.index_cast %swap3A_226 : i32 to index
    %swap3A_229 = arith.index_cast %swap3A_227 : i32 to index
    %swap3A_230 = arith.constant 16 : index
    %swap3A_231 = tpu.vector_load %arg10[%swap3A_228, %swap3A_229, %swap3A_230] {strides = array<i32>} : memref<4x1x128xf32, #tpu.memory_space<vmem>>, vector<16xf32>,
    tpu.vector_store %arg10[%swap3A_228, %swap3A_229, %swap3A_230], %scan3A_218#1 {strides = array<i32>} : memref<4x1x128xf32, #tpu.memory_space<vmem>>, vector<16xf32>,
    %swap3A_232 = arith.constant 1 : i32
    %swap3A_233 = arith.constant 0 : i32
    %swap3A_234 = arith.index_cast %swap3A_232 : i32 to index
    %swap3A_235 = arith.index_cast %swap3A_233 : i32 to index
    %swap3A_236 = arith.constant 32 : index
    %swap3A_237 = tpu.vector_load %arg10[%swap3A_234, %swap3A_235, %swap3A_236] {strides = array<i32>} : memref<4x1x128xf32, #tpu.memory_space<vmem>>, vector<16xf32>,
    tpu.vector_store %arg10[%swap3A_234, %swap3A_235, %swap3A_236], %scan3A_218#2 {strides = array<i32>} : memref<4x1x128xf32, #tpu.memory_space<vmem>>, vector<16xf32>,
    %swap3A_238 = arith.constant 1 : i32
    %swap3A_239 = arith.constant 0 : i32
    %swap3A_240 = arith.index_cast %swap3A_238 : i32 to index
    %swap3A_241 = arith.index_cast %swap3A_239 : i32 to index
    %swap3A_242 = arith.constant 48 : index
    %swap3A_243 = tpu.vector_load %arg10[%swap3A_240, %swap3A_241, %swap3A_242] {strides = array<i32>} : memref<4x1x128xf32, #tpu.memory_space<vmem>>, vector<16xf32>,
    tpu.vector_store %arg10[%swap3A_240, %swap3A_241, %swap3A_242], %scan3A_218#3 {strides = array<i32>} : memref<4x1x128xf32, #tpu.memory_space<vmem>>, vector<16xf32>,
    %swap3A_244 = arith.constant 1 : i32
    %swap3A_245 = arith.constant 0 : i32
    %swap3A_246 = arith.index_cast %swap3A_244 : i32 to index
    %swap3A_247 = arith.index_cast %swap3A_245 : i32 to index
    %swap3A_248 = arith.constant 64 : index
    %swap3A_249 = tpu.vector_load %arg10[%swap3A_246, %swap3A_247, %swap3A_248] {strides = array<i32>} : memref<4x1x128xf32, #tpu.memory_space<vmem>>, vector<16xf32>,
    tpu.vector_store %arg10[%swap3A_246, %swap3A_247, %swap3A_248], %scan3A_218#4 {strides = array<i32>} : memref<4x1x128xf32, #tpu.memory_space<vmem>>, vector<16xf32>,
    %swap3A_250 = arith.constant 1 : i32
    %swap3A_251 = arith.constant 0 : i32
    %swap3A_252 = arith.index_cast %swap3A_250 : i32 to index
    %swap3A_253 = arith.index_cast %swap3A_251 : i32 to index
    %swap3A_254 = arith.constant 80 : index
    %swap3A_255 = tpu.vector_load %arg10[%swap3A_252, %swap3A_253, %swap3A_254] {strides = array<i32>} : memref<4x1x128xf32, #tpu.memory_space<vmem>>, vector<16xf32>,
    tpu.vector_store %arg10[%swap3A_252, %swap3A_253, %swap3A_254], %scan3A_218#5 {strides = array<i32>} : memref<4x1x128xf32, #tpu.memory_space<vmem>>, vector<16xf32>,
    %swap3A_256 = arith.constant 1 : i32
    %swap3A_257 = arith.constant 0 : i32
    %swap3A_258 = arith.index_cast %swap3A_256 : i32 to index
    %swap3A_259 = arith.index_cast %swap3A_257 : i32 to index
    %swap3A_260 = arith.constant 96 : index
    %swap3A_261 = tpu.vector_load %arg10[%swap3A_258, %swap3A_259, %swap3A_260] {strides = array<i32>} : memref<4x1x128xf32, #tpu.memory_space<vmem>>, vector<16xf32>,
    tpu.vector_store %arg10[%swap3A_258, %swap3A_259, %swap3A_260], %scan3A_218#6 {strides = array<i32>} : memref<4x1x128xf32, #tpu.memory_space<vmem>>, vector<16xf32>,
    %swap3A_262 = arith.constant 1 : i32
    %swap3A_263 = arith.constant 0 : i32
    %swap3A_264 = arith.index_cast %swap3A_262 : i32 to index
    %swap3A_265 = arith.index_cast %swap3A_263 : i32 to index
    %swap3A_266 = arith.constant 112 : index
    %swap3A_267 = tpu.vector_load %arg10[%swap3A_264, %swap3A_265, %swap3A_266] {strides = array<i32>} : memref<4x1x128xf32, #tpu.memory_space<vmem>>, vector<16xf32>,
    tpu.vector_store %arg10[%swap3A_264, %swap3A_265, %swap3A_266], %scan3A_218#7 {strides = array<i32>} : memref<4x1x128xf32, #tpu.memory_space<vmem>>, vector<16xf32>,
    %mul3A_268 = arith.constant 128 : i32
    %mul3A_269 = arith.muli %add3A, %mul3A_268 : i32
    %add3A_270 = arith.constant 1 : i32
    %add3A_271 = arith.addi %mul3A_269, %add3A_270 : i32
    %dma_start3A_272 = arith.constant 1 : i32
    %dma_start3A_273 = arith.constant 0 : i32
    %dma_start3A_274 = arith.constant 0 : i32
    %dma_start3A_275 = tpu.memref_slice %arg10[%dma_start3A_272, %dma_start3A_273, %dma_start3A_274] : memref<4x1x128xf32, #tpu.memory_space<vmem>> -> memref<1x1x128xf32, #tpu.memory_space<vmem>>
    %dma_start3A_276 = arith.constant 0 : i32
    %dma_start3A_277 = arith.constant 0 : i32
    %dma_start3A_278 = tpu.memref_slice %arg4[%add3A_271, %dma_start3A_276, %dma_start3A_277] : memref<4096x1x128xf32, #tpu.memory_space<hbm>> -> memref<1x1x128xf32, #tpu.memory_space<hbm>>
    %dma_start3A_279 = arith.constant 0 : i32
    %dma_start3A_280 = arith.constant 0 : i32
    %dma_start3A_281 = tpu.memref_slice %arg4[%add3A_271, %dma_start3A_279, %dma_start3A_280] : memref<4096x1x128xf32, #tpu.memory_space<hbm>> -> memref<1x1x128xf32, #tpu.memory_space<hbm>>
    %dma_start3A_282 = arith.constant 1 : i32
    %dma_start3A_283 = arith.constant 0 : i32
    %dma_start3A_284 = arith.constant 0 : i32
    %dma_start3A_285 = tpu.memref_slice %arg10[%dma_start3A_282, %dma_start3A_283, %dma_start3A_284] : memref<4x1x128xf32, #tpu.memory_space<vmem>> -> memref<1x1x128xf32, #tpu.memory_space<vmem>>
    tpu.enqueue_dma source(%dma_start3A_285 : memref<1x1x128xf32, #tpu.memory_space<vmem>>) target(%dma_start3A_281 : memref<1x1x128xf32, #tpu.memory_space<hbm>>) target_semaphore(%arg16 : memref<!tpu.dma_semaphore, #tpu.memory_space<semaphore_mem>>)
    %dma_wait3A_286 = arith.constant 0 : i32
    %dma_wait3A_287 = arith.constant 0 : i32
    %dma_wait3A_288 = tpu.memref_slice %arg8[%dma_wait3A_286, %dma_wait3A_287] : memref<200x128xf32, #tpu.memory_space<vmem>> -> memref<128x128xf32, #tpu.memory_space<vmem>>
    %dma_wait3A_289 = arith.constant 400 : i32
    %dma_wait3A_290 = tpu.memref_slice %arg5[%dma_wait3A_289] : memref<25600xi32, #tpu.memory_space<vmem>> -> memref<128xi32, #tpu.memory_space<vmem>>
    %dma_wait3A_291 = arith.constant 0 : i32
    %dma_wait3A_292 = arith.constant 0 : i32
    %dma_wait3A_293 = tpu.memref_slice %arg3[%dma_wait3A_291, %dma_wait3A_292] : memref<1000000x128xf32, #tpu.memory_space<hbm>> -> memref<1000000x128xf32, #tpu.memory_space<hbm>>
    tpu.wait_indirect_dma semaphore(%arg13 : memref<!tpu.dma_semaphore, #tpu.memory_space<semaphore_mem>>) src(%dma_wait3A_293 : memref<1000000x128xf32, #tpu.memory_space<hbm>>) dst(%dma_wait3A_288 : memref<128x128xf32, #tpu.memory_space<vmem>>)
    %dma_wait3A_294 = arith.constant 128 : i32
    %dma_wait3A_295 = arith.constant 0 : i32
    %dma_wait3A_296 = tpu.memref_slice %arg8[%dma_wait3A_294, %dma_wait3A_295] : memref<200x128xf32, #tpu.memory_space<vmem>> -> memref<72x128xf32, #tpu.memory_space<vmem>>
    %dma_wait3A_297 = arith.constant 528 : i32
    %dma_wait3A_298 = tpu.memref_slice %arg5[%dma_wait3A_297] : memref<25600xi32, #tpu.memory_space<vmem>> -> memref<72xi32, #tpu.memory_space<vmem>>
    %dma_wait3A_299 = arith.constant 0 : i32
    %dma_wait3A_300 = arith.constant 0 : i32
    %dma_wait3A_301 = tpu.memref_slice %arg3[%dma_wait3A_299, %dma_wait3A_300] : memref<1000000x128xf32, #tpu.memory_space<hbm>> -> memref<1000000x128xf32, #tpu.memory_space<hbm>>
    tpu.wait_indirect_dma semaphore(%arg13 : memref<!tpu.dma_semaphore, #tpu.memory_space<semaphore_mem>>) src(%dma_wait3A_301 : memref<1000000x128xf32, #tpu.memory_space<hbm>>) dst(%dma_wait3A_296 : memref<72x128xf32, #tpu.memory_space<vmem>>)
    %dma_start3A_302 = arith.constant 0 : i32
    %dma_start3A_303 = arith.constant 0 : i32
    %dma_start3A_304 = tpu.memref_slice %arg7[%dma_start3A_302, %dma_start3A_303] : memref<200x128xf32, #tpu.memory_space<vmem>> -> memref<128x128xf32, #tpu.memory_space<vmem>>
    %dma_start3A_305 = arith.constant 1000 : i32
    %dma_start3A_306 = tpu.memref_slice %arg5[%dma_start3A_305] : memref<25600xi32, #tpu.memory_space<vmem>> -> memref<128xi32, #tpu.memory_space<vmem>>
    %dma_start3A_307 = arith.constant 0 : i32
    %dma_start3A_308 = arith.constant 0 : i32
    %dma_start3A_309 = tpu.memref_slice %arg3[%dma_start3A_307, %dma_start3A_308] : memref<1000000x128xf32, #tpu.memory_space<hbm>> -> memref<1000000x128xf32, #tpu.memory_space<hbm>>
    tpu.enqueue_indirect_dma source(%dma_start3A_309 : memref<1000000x128xf32, #tpu.memory_space<hbm>>) target(%dma_start3A_304 : memref<128x128xf32, #tpu.memory_space<vmem>>) offsets(%dma_start3A_306 : memref<128xi32, #tpu.memory_space<vmem>>) semaphore(%arg12 : memref<!tpu.dma_semaphore, #tpu.memory_space<semaphore_mem>>)
    %dma_start3A_310 = arith.constant 128 : i32
    %dma_start3A_311 = arith.constant 0 : i32
    %dma_start3A_312 = tpu.memref_slice %arg7[%dma_start3A_310, %dma_start3A_311] : memref<200x128xf32, #tpu.memory_space<vmem>> -> memref<72x128xf32, #tpu.memory_space<vmem>>
    %dma_start3A_313 = arith.constant 1128 : i32
    %dma_start3A_314 = tpu.memref_slice %arg5[%dma_start3A_313] : memref<25600xi32, #tpu.memory_space<vmem>> -> memref<72xi32, #tpu.memory_space<vmem>>
    %dma_start3A_315 = arith.constant 0 : i32
    %dma_start3A_316 = arith.constant 0 : i32
    %dma_start3A_317 = tpu.memref_slice %arg3[%dma_start3A_315, %dma_start3A_316] : memref<1000000x128xf32, #tpu.memory_space<hbm>> -> memref<1000000x128xf32, #tpu.memory_space<hbm>>
    tpu.enqueue_indirect_dma source(%dma_start3A_317 : memref<1000000x128xf32, #tpu.memory_space<hbm>>) target(%dma_start3A_312 : memref<72x128xf32, #tpu.memory_space<vmem>>) offsets(%dma_start3A_314 : memref<72xi32, #tpu.memory_space<vmem>>) semaphore(%arg12 : memref<!tpu.dma_semaphore, #tpu.memory_space<semaphore_mem>>)
    %broadcast_in_dim3A_318 = arith.constant 0.000000e+00 : f32
    %broadcast_in_dim3A_319 = vector.broadcast %broadcast_in_dim3A_318 : f32 to vector<16xf32>
    %broadcast_in_dim3A_320 = arith.constant 0.000000e+00 : f32
    %broadcast_in_dim3A_321 = vector.broadcast %broadcast_in_dim3A_320 : f32 to vector<16xf32>
    %broadcast_in_dim3A_322 = arith.constant 0.000000e+00 : f32
    %broadcast_in_dim3A_323 = vector.broadcast %broadcast_in_dim3A_322 : f32 to vector<16xf32>
    %broadcast_in_dim3A_324 = arith.constant 0.000000e+00 : f32
    %broadcast_in_dim3A_325 = vector.broadcast %broadcast_in_dim3A_324 : f32 to vector<16xf32>
    %broadcast_in_dim3A_326 = arith.constant 0.000000e+00 : f32
    %broadcast_in_dim3A_327 = vector.broadcast %broadcast_in_dim3A_326 : f32 to vector<16xf32>
    %broadcast_in_dim3A_328 = arith.constant 0.000000e+00 : f32
    %broadcast_in_dim3A_329 = vector.broadcast %broadcast_in_dim3A_328 : f32 to vector<16xf32>
    %broadcast_in_dim3A_330 = arith.constant 0.000000e+00 : f32
    %broadcast_in_dim3A_331 = vector.broadcast %broadcast_in_dim3A_330 : f32 to vector<16xf32>
    %broadcast_in_dim3A_332 = arith.constant 0.000000e+00 : f32
    %broadcast_in_dim3A_333 = vector.broadcast %broadcast_in_dim3A_332 : f32 to vector<16xf32>
    %scan3A_334 = arith.constant 0 : i32
    %scan3A_335 = arith.constant 200 : i32
    %scan3A_336 = arith.addi %scan3A_334, %scan3A_335 : i32
    %scan3A_337 = arith.constant 1 : i32
    %scan3A_338:8 = scf.for %scan3A_596 = %scan3A_334 to %scan3A_336 step %scan3A_337 iter_args(%scan3A_597 = %broadcast_in_dim3A_319, %scan3A_598 = %broadcast_in_dim3A_321, %scan3A_599 = %broadcast_in_dim3A_323, %scan3A_600 = %broadcast_in_dim3A_325, %scan3A_601 = %broadcast_in_dim3A_327, %scan3A_602 = %broadcast_in_dim3A_329, %scan3A_603 = %broadcast_in_dim3A_331, %scan3A_604 = %broadcast_in_dim3A_333) -> (vector<16xf32>, vector<16xf32>, vector<16xf32>, vector<16xf32>, vector<16xf32>, vector<16xf32>, vector<16xf32>, vector<16xf32>)  : i32 {
      %get3A = arith.index_cast %scan3A_596 : i32 to index
      %get3A_605 = arith.constant 0 : index
      %get3A_606 = tpu.vector_load %arg8[%get3A, %get3A_605] {strides = array<i32>} : memref<200x128xf32, #tpu.memory_space<vmem>>, vector<16xf32>,
      %add3A_607 = arith.addf %scan3A_597, %get3A_606 : vector<16xf32>
      %get3A_608 = arith.index_cast %scan3A_596 : i32 to index
      %get3A_609 = arith.constant 16 : index
      %get3A_610 = tpu.vector_load %arg8[%get3A_608, %get3A_609] {strides = array<i32>} : memref<200x128xf32, #tpu.memory_space<vmem>>, vector<16xf32>,
      %add3A_611 = arith.addf %scan3A_598, %get3A_610 : vector<16xf32>
      %get3A_612 = arith.index_cast %scan3A_596 : i32 to index
      %get3A_613 = arith.constant 32 : index
      %get3A_614 = tpu.vector_load %arg8[%get3A_612, %get3A_613] {strides = array<i32>} : memref<200x128xf32, #tpu.memory_space<vmem>>, vector<16xf32>,
      %add3A_615 = arith.addf %scan3A_599, %get3A_614 : vector<16xf32>
      %get3A_616 = arith.index_cast %scan3A_596 : i32 to index
      %get3A_617 = arith.constant 48 : index
      %get3A_618 = tpu.vector_load %arg8[%get3A_616, %get3A_617] {strides = array<i32>} : memref<200x128xf32, #tpu.memory_space<vmem>>, vector<16xf32>,
      %add3A_619 = arith.addf %scan3A_600, %get3A_618 : vector<16xf32>
      %get3A_620 = arith.index_cast %scan3A_596 : i32 to index
      %get3A_621 = arith.constant 64 : index
      %get3A_622 = tpu.vector_load %arg8[%get3A_620, %get3A_621] {strides = array<i32>} : memref<200x128xf32, #tpu.memory_space<vmem>>, vector<16xf32>,
      %add3A_623 = arith.addf %scan3A_601, %get3A_622 : vector<16xf32>
      %get3A_624 = arith.index_cast %scan3A_596 : i32 to index
      %get3A_625 = arith.constant 80 : index
      %get3A_626 = tpu.vector_load %arg8[%get3A_624, %get3A_625] {strides = array<i32>} : memref<200x128xf32, #tpu.memory_space<vmem>>, vector<16xf32>,
      %add3A_627 = arith.addf %scan3A_602, %get3A_626 : vector<16xf32>
      %get3A_628 = arith.index_cast %scan3A_596 : i32 to index
      %get3A_629 = arith.constant 96 : index
      %get3A_630 = tpu.vector_load %arg8[%get3A_628, %get3A_629] {strides = array<i32>} : memref<200x128xf32, #tpu.memory_space<vmem>>, vector<16xf32>,
      %add3A_631 = arith.addf %scan3A_603, %get3A_630 : vector<16xf32>
      %get3A_632 = arith.index_cast %scan3A_596 : i32 to index
      %get3A_633 = arith.constant 112 : index
      %get3A_634 = tpu.vector_load %arg8[%get3A_632, %get3A_633] {strides = array<i32>} : memref<200x128xf32, #tpu.memory_space<vmem>>, vector<16xf32>,
      %add3A_635 = arith.addf %scan3A_604, %get3A_634 : vector<16xf32>
      scf.yield %add3A_607, %add3A_611, %add3A_615, %add3A_619, %add3A_623, %add3A_627, %add3A_631, %add3A_635 : vector<16xf32>, vector<16xf32>, vector<16xf32>, vector<16xf32>, vector<16xf32>, vector<16xf32>, vector<16xf32>, vector<16xf32>
    }
    %scan3A_339 = arith.constant 200 : i32
    %swap3A_340 = arith.constant 2 : i32
    %swap3A_341 = arith.constant 0 : i32
    %swap3A_342 = arith.index_cast %swap3A_340 : i32 to index
    %swap3A_343 = arith.index_cast %swap3A_341 : i32 to index
    %swap3A_344 = arith.constant 0 : index
    %swap3A_345 = tpu.vector_load %arg10[%swap3A_342, %swap3A_343, %swap3A_344] {strides = array<i32>} : memref<4x1x128xf32, #tpu.memory_space<vmem>>, vector<16xf32>,
    tpu.vector_store %arg10[%swap3A_342, %swap3A_343, %swap3A_344], %scan3A_338#0 {strides = array<i32>} : memref<4x1x128xf32, #tpu.memory_space<vmem>>, vector<16xf32>,
    %swap3A_346 = arith.constant 2 : i32
    %swap3A_347 = arith.constant 0 : i32
    %swap3A_348 = arith.index_cast %swap3A_346 : i32 to index
    %swap3A_349 = arith.index_cast %swap3A_347 : i32 to index
    %swap3A_350 = arith.constant 16 : index
    %swap3A_351 = tpu.vector_load %arg10[%swap3A_348, %swap3A_349, %swap3A_350] {strides = array<i32>} : memref<4x1x128xf32, #tpu.memory_space<vmem>>, vector<16xf32>,
    tpu.vector_store %arg10[%swap3A_348, %swap3A_349, %swap3A_350], %scan3A_338#1 {strides = array<i32>} : memref<4x1x128xf32, #tpu.memory_space<vmem>>, vector<16xf32>,
    %swap3A_352 = arith.constant 2 : i32
    %swap3A_353 = arith.constant 0 : i32
    %swap3A_354 = arith.index_cast %swap3A_352 : i32 to index
    %swap3A_355 = arith.index_cast %swap3A_353 : i32 to index
    %swap3A_356 = arith.constant 32 : index
    %swap3A_357 = tpu.vector_load %arg10[%swap3A_354, %swap3A_355, %swap3A_356] {strides = array<i32>} : memref<4x1x128xf32, #tpu.memory_space<vmem>>, vector<16xf32>,
    tpu.vector_store %arg10[%swap3A_354, %swap3A_355, %swap3A_356], %scan3A_338#2 {strides = array<i32>} : memref<4x1x128xf32, #tpu.memory_space<vmem>>, vector<16xf32>,
    %swap3A_358 = arith.constant 2 : i32
    %swap3A_359 = arith.constant 0 : i32
    %swap3A_360 = arith.index_cast %swap3A_358 : i32 to index
    %swap3A_361 = arith.index_cast %swap3A_359 : i32 to index
    %swap3A_362 = arith.constant 48 : index
    %swap3A_363 = tpu.vector_load %arg10[%swap3A_360, %swap3A_361, %swap3A_362] {strides = array<i32>} : memref<4x1x128xf32, #tpu.memory_space<vmem>>, vector<16xf32>,
    tpu.vector_store %arg10[%swap3A_360, %swap3A_361, %swap3A_362], %scan3A_338#3 {strides = array<i32>} : memref<4x1x128xf32, #tpu.memory_space<vmem>>, vector<16xf32>,
    %swap3A_364 = arith.constant 2 : i32
    %swap3A_365 = arith.constant 0 : i32
    %swap3A_366 = arith.index_cast %swap3A_364 : i32 to index
    %swap3A_367 = arith.index_cast %swap3A_365 : i32 to index
    %swap3A_368 = arith.constant 64 : index
    %swap3A_369 = tpu.vector_load %arg10[%swap3A_366, %swap3A_367, %swap3A_368] {strides = array<i32>} : memref<4x1x128xf32, #tpu.memory_space<vmem>>, vector<16xf32>,
    tpu.vector_store %arg10[%swap3A_366, %swap3A_367, %swap3A_368], %scan3A_338#4 {strides = array<i32>} : memref<4x1x128xf32, #tpu.memory_space<vmem>>, vector<16xf32>,
    %swap3A_370 = arith.constant 2 : i32
    %swap3A_371 = arith.constant 0 : i32
    %swap3A_372 = arith.index_cast %swap3A_370 : i32 to index
    %swap3A_373 = arith.index_cast %swap3A_371 : i32 to index
    %swap3A_374 = arith.constant 80 : index
    %swap3A_375 = tpu.vector_load %arg10[%swap3A_372, %swap3A_373, %swap3A_374] {strides = array<i32>} : memref<4x1x128xf32, #tpu.memory_space<vmem>>, vector<16xf32>,
    tpu.vector_store %arg10[%swap3A_372, %swap3A_373, %swap3A_374], %scan3A_338#5 {strides = array<i32>} : memref<4x1x128xf32, #tpu.memory_space<vmem>>, vector<16xf32>,
    %swap3A_376 = arith.constant 2 : i32
    %swap3A_377 = arith.constant 0 : i32
    %swap3A_378 = arith.index_cast %swap3A_376 : i32 to index
    %swap3A_379 = arith.index_cast %swap3A_377 : i32 to index
    %swap3A_380 = arith.constant 96 : index
    %swap3A_381 = tpu.vector_load %arg10[%swap3A_378, %swap3A_379, %swap3A_380] {strides = array<i32>} : memref<4x1x128xf32, #tpu.memory_space<vmem>>, vector<16xf32>,
    tpu.vector_store %arg10[%swap3A_378, %swap3A_379, %swap3A_380], %scan3A_338#6 {strides = array<i32>} : memref<4x1x128xf32, #tpu.memory_space<vmem>>, vector<16xf32>,
    %swap3A_382 = arith.constant 2 : i32
    %swap3A_383 = arith.constant 0 : i32
    %swap3A_384 = arith.index_cast %swap3A_382 : i32 to index
    %swap3A_385 = arith.index_cast %swap3A_383 : i32 to index
    %swap3A_386 = arith.constant 112 : index
    %swap3A_387 = tpu.vector_load %arg10[%swap3A_384, %swap3A_385, %swap3A_386] {strides = array<i32>} : memref<4x1x128xf32, #tpu.memory_space<vmem>>, vector<16xf32>,
    tpu.vector_store %arg10[%swap3A_384, %swap3A_385, %swap3A_386], %scan3A_338#7 {strides = array<i32>} : memref<4x1x128xf32, #tpu.memory_space<vmem>>, vector<16xf32>,
    %mul3A_388 = arith.constant 128 : i32
    %mul3A_389 = arith.muli %add3A, %mul3A_388 : i32
    %add3A_390 = arith.constant 2 : i32
    %add3A_391 = arith.addi %mul3A_389, %add3A_390 : i32
    %dma_start3A_392 = arith.constant 2 : i32
    %dma_start3A_393 = arith.constant 0 : i32
    %dma_start3A_394 = arith.constant 0 : i32
    %dma_start3A_395 = tpu.memref_slice %arg10[%dma_start3A_392, %dma_start3A_393, %dma_start3A_394] : memref<4x1x128xf32, #tpu.memory_space<vmem>> -> memref<1x1x128xf32, #tpu.memory_space<vmem>>
    %dma_start3A_396 = arith.constant 0 : i32
    %dma_start3A_397 = arith.constant 0 : i32
    %dma_start3A_398 = tpu.memref_slice %arg4[%add3A_391, %dma_start3A_396, %dma_start3A_397] : memref<4096x1x128xf32, #tpu.memory_space<hbm>> -> memref<1x1x128xf32, #tpu.memory_space<hbm>>
    %dma_start3A_399 = arith.constant 0 : i32
    %dma_start3A_400 = arith.constant 0 : i32
    %dma_start3A_401 = tpu.memref_slice %arg4[%add3A_391, %dma_start3A_399, %dma_start3A_400] : memref<4096x1x128xf32, #tpu.memory_space<hbm>> -> memref<1x1x128xf32, #tpu.memory_space<hbm>>
    %dma_start3A_402 = arith.constant 2 : i32
    %dma_start3A_403 = arith.constant 0 : i32
    %dma_start3A_404 = arith.constant 0 : i32
    %dma_start3A_405 = tpu.memref_slice %arg10[%dma_start3A_402, %dma_start3A_403, %dma_start3A_404] : memref<4x1x128xf32, #tpu.memory_space<vmem>> -> memref<1x1x128xf32, #tpu.memory_space<vmem>>
    tpu.enqueue_dma source(%dma_start3A_405 : memref<1x1x128xf32, #tpu.memory_space<vmem>>) target(%dma_start3A_401 : memref<1x1x128xf32, #tpu.memory_space<hbm>>) target_semaphore(%arg17 : memref<!tpu.dma_semaphore, #tpu.memory_space<semaphore_mem>>)
    %dma_wait3A_406 = arith.constant 0 : i32
    %dma_wait3A_407 = arith.constant 0 : i32
    %dma_wait3A_408 = tpu.memref_slice %arg9[%dma_wait3A_406, %dma_wait3A_407] : memref<200x128xf32, #tpu.memory_space<vmem>> -> memref<128x128xf32, #tpu.memory_space<vmem>>
    %dma_wait3A_409 = arith.constant 600 : i32
    %dma_wait3A_410 = tpu.memref_slice %arg5[%dma_wait3A_409] : memref<25600xi32, #tpu.memory_space<vmem>> -> memref<128xi32, #tpu.memory_space<vmem>>
    %dma_wait3A_411 = arith.constant 0 : i32
    %dma_wait3A_412 = arith.constant 0 : i32
    %dma_wait3A_413 = tpu.memref_slice %arg3[%dma_wait3A_411, %dma_wait3A_412] : memref<1000000x128xf32, #tpu.memory_space<hbm>> -> memref<1000000x128xf32, #tpu.memory_space<hbm>>
    tpu.wait_indirect_dma semaphore(%arg14 : memref<!tpu.dma_semaphore, #tpu.memory_space<semaphore_mem>>) src(%dma_wait3A_413 : memref<1000000x128xf32, #tpu.memory_space<hbm>>) dst(%dma_wait3A_408 : memref<128x128xf32, #tpu.memory_space<vmem>>)
    %dma_wait3A_414 = arith.constant 128 : i32
    %dma_wait3A_415 = arith.constant 0 : i32
    %dma_wait3A_416 = tpu.memref_slice %arg9[%dma_wait3A_414, %dma_wait3A_415] : memref<200x128xf32, #tpu.memory_space<vmem>> -> memref<72x128xf32, #tpu.memory_space<vmem>>
    %dma_wait3A_417 = arith.constant 728 : i32
    %dma_wait3A_418 = tpu.memref_slice %arg5[%dma_wait3A_417] : memref<25600xi32, #tpu.memory_space<vmem>> -> memref<72xi32, #tpu.memory_space<vmem>>
    %dma_wait3A_419 = arith.constant 0 : i32
    %dma_wait3A_420 = arith.constant 0 : i32
    %dma_wait3A_421 = tpu.memref_slice %arg3[%dma_wait3A_419, %dma_wait3A_420] : memref<1000000x128xf32, #tpu.memory_space<hbm>> -> memref<1000000x128xf32, #tpu.memory_space<hbm>>
    tpu.wait_indirect_dma semaphore(%arg14 : memref<!tpu.dma_semaphore, #tpu.memory_space<semaphore_mem>>) src(%dma_wait3A_421 : memref<1000000x128xf32, #tpu.memory_space<hbm>>) dst(%dma_wait3A_416 : memref<72x128xf32, #tpu.memory_space<vmem>>)
    %dma_start3A_422 = arith.constant 0 : i32
    %dma_start3A_423 = arith.constant 0 : i32
    %dma_start3A_424 = tpu.memref_slice %arg8[%dma_start3A_422, %dma_start3A_423] : memref<200x128xf32, #tpu.memory_space<vmem>> -> memref<128x128xf32, #tpu.memory_space<vmem>>
    %dma_start3A_425 = arith.constant 1200 : i32
    %dma_start3A_426 = tpu.memref_slice %arg5[%dma_start3A_425] : memref<25600xi32, #tpu.memory_space<vmem>> -> memref<128xi32, #tpu.memory_space<vmem>>
    %dma_start3A_427 = arith.constant 0 : i32
    %dma_start3A_428 = arith.constant 0 : i32
    %dma_start3A_429 = tpu.memref_slice %arg3[%dma_start3A_427, %dma_start3A_428] : memref<1000000x128xf32, #tpu.memory_space<hbm>> -> memref<1000000x128xf32, #tpu.memory_space<hbm>>
    tpu.enqueue_indirect_dma source(%dma_start3A_429 : memref<1000000x128xf32, #tpu.memory_space<hbm>>) target(%dma_start3A_424 : memref<128x128xf32, #tpu.memory_space<vmem>>) offsets(%dma_start3A_426 : memref<128xi32, #tpu.memory_space<vmem>>) semaphore(%arg13 : memref<!tpu.dma_semaphore, #tpu.memory_space<semaphore_mem>>)
    %dma_start3A_430 = arith.constant 128 : i32
    %dma_start3A_431 = arith.constant 0 : i32
    %dma_start3A_432 = tpu.memref_slice %arg8[%dma_start3A_430, %dma_start3A_431] : memref<200x128xf32, #tpu.memory_space<vmem>> -> memref<72x128xf32, #tpu.memory_space<vmem>>
    %dma_start3A_433 = arith.constant 1328 : i32
    %dma_start3A_434 = tpu.memref_slice %arg5[%dma_start3A_433] : memref<25600xi32, #tpu.memory_space<vmem>> -> memref<72xi32, #tpu.memory_space<vmem>>
    %dma_start3A_435 = arith.constant 0 : i32
    %dma_start3A_436 = arith.constant 0 : i32
    %dma_start3A_437 = tpu.memref_slice %arg3[%dma_start3A_435, %dma_start3A_436] : memref<1000000x128xf32, #tpu.memory_space<hbm>> -> memref<1000000x128xf32, #tpu.memory_space<hbm>>
    tpu.enqueue_indirect_dma source(%dma_start3A_437 : memref<1000000x128xf32, #tpu.memory_space<hbm>>) target(%dma_start3A_432 : memref<72x128xf32, #tpu.memory_space<vmem>>) offsets(%dma_start3A_434 : memref<72xi32, #tpu.memory_space<vmem>>) semaphore(%arg13 : memref<!tpu.dma_semaphore, #tpu.memory_space<semaphore_mem>>)
    %broadcast_in_dim3A_438 = arith.constant 0.000000e+00 : f32
    %broadcast_in_dim3A_439 = vector.broadcast %broadcast_in_dim3A_438 : f32 to vector<16xf32>
    %broadcast_in_dim3A_440 = arith.constant 0.000000e+00 : f32
    %broadcast_in_dim3A_441 = vector.broadcast %broadcast_in_dim3A_440 : f32 to vector<16xf32>
    %broadcast_in_dim3A_442 = arith.constant 0.000000e+00 : f32
    %broadcast_in_dim3A_443 = vector.broadcast %broadcast_in_dim3A_442 : f32 to vector<16xf32>
    %broadcast_in_dim3A_444 = arith.constant 0.000000e+00 : f32
    %broadcast_in_dim3A_445 = vector.broadcast %broadcast_in_dim3A_444 : f32 to vector<16xf32>
    %broadcast_in_dim3A_446 = arith.constant 0.000000e+00 : f32
    %broadcast_in_dim3A_447 = vector.broadcast %broadcast_in_dim3A_446 : f32 to vector<16xf32>
    %broadcast_in_dim3A_448 = arith.constant 0.000000e+00 : f32
    %broadcast_in_dim3A_449 = vector.broadcast %broadcast_in_dim3A_448 : f32 to vector<16xf32>
    %broadcast_in_dim3A_450 = arith.constant 0.000000e+00 : f32
    %broadcast_in_dim3A_451 = vector.broadcast %broadcast_in_dim3A_450 : f32 to vector<16xf32>
    %broadcast_in_dim3A_452 = arith.constant 0.000000e+00 : f32
    %broadcast_in_dim3A_453 = vector.broadcast %broadcast_in_dim3A_452 : f32 to vector<16xf32>
    %scan3A_454 = arith.constant 0 : i32
    %scan3A_455 = arith.constant 200 : i32
    %scan3A_456 = arith.addi %scan3A_454, %scan3A_455 : i32
    %scan3A_457 = arith.constant 1 : i32
    %scan3A_458:8 = scf.for %scan3A_596 = %scan3A_454 to %scan3A_456 step %scan3A_457 iter_args(%scan3A_597 = %broadcast_in_dim3A_439, %scan3A_598 = %broadcast_in_dim3A_441, %scan3A_599 = %broadcast_in_dim3A_443, %scan3A_600 = %broadcast_in_dim3A_445, %scan3A_601 = %broadcast_in_dim3A_447, %scan3A_602 = %broadcast_in_dim3A_449, %scan3A_603 = %broadcast_in_dim3A_451, %scan3A_604 = %broadcast_in_dim3A_453) -> (vector<16xf32>, vector<16xf32>, vector<16xf32>, vector<16xf32>, vector<16xf32>, vector<16xf32>, vector<16xf32>, vector<16xf32>)  : i32 {
      %get3A = arith.index_cast %scan3A_596 : i32 to index
      %get3A_605 = arith.constant 0 : index
      %get3A_606 = tpu.vector_load %arg9[%get3A, %get3A_605] {strides = array<i32>} : memref<200x128xf32, #tpu.memory_space<vmem>>, vector<16xf32>,
      %add3A_607 = arith.addf %scan3A_597, %get3A_606 : vector<16xf32>
      %get3A_608 = arith.index_cast %scan3A_596 : i32 to index
      %get3A_609 = arith.constant 16 : index
      %get3A_610 = tpu.vector_load %arg9[%get3A_608, %get3A_609] {strides = array<i32>} : memref<200x128xf32, #tpu.memory_space<vmem>>, vector<16xf32>,
      %add3A_611 = arith.addf %scan3A_598, %get3A_610 : vector<16xf32>
      %get3A_612 = arith.index_cast %scan3A_596 : i32 to index
      %get3A_613 = arith.constant 32 : index
      %get3A_614 = tpu.vector_load %arg9[%get3A_612, %get3A_613] {strides = array<i32>} : memref<200x128xf32, #tpu.memory_space<vmem>>, vector<16xf32>,
      %add3A_615 = arith.addf %scan3A_599, %get3A_614 : vector<16xf32>
      %get3A_616 = arith.index_cast %scan3A_596 : i32 to index
      %get3A_617 = arith.constant 48 : index
      %get3A_618 = tpu.vector_load %arg9[%get3A_616, %get3A_617] {strides = array<i32>} : memref<200x128xf32, #tpu.memory_space<vmem>>, vector<16xf32>,
      %add3A_619 = arith.addf %scan3A_600, %get3A_618 : vector<16xf32>
      %get3A_620 = arith.index_cast %scan3A_596 : i32 to index
      %get3A_621 = arith.constant 64 : index
      %get3A_622 = tpu.vector_load %arg9[%get3A_620, %get3A_621] {strides = array<i32>} : memref<200x128xf32, #tpu.memory_space<vmem>>, vector<16xf32>,
      %add3A_623 = arith.addf %scan3A_601, %get3A_622 : vector<16xf32>
      %get3A_624 = arith.index_cast %scan3A_596 : i32 to index
      %get3A_625 = arith.constant 80 : index
      %get3A_626 = tpu.vector_load %arg9[%get3A_624, %get3A_625] {strides = array<i32>} : memref<200x128xf32, #tpu.memory_space<vmem>>, vector<16xf32>,
      %add3A_627 = arith.addf %scan3A_602, %get3A_626 : vector<16xf32>
      %get3A_628 = arith.index_cast %scan3A_596 : i32 to index
      %get3A_629 = arith.constant 96 : index
      %get3A_630 = tpu.vector_load %arg9[%get3A_628, %get3A_629] {strides = array<i32>} : memref<200x128xf32, #tpu.memory_space<vmem>>, vector<16xf32>,
      %add3A_631 = arith.addf %scan3A_603, %get3A_630 : vector<16xf32>
      %get3A_632 = arith.index_cast %scan3A_596 : i32 to index
      %get3A_633 = arith.constant 112 : index
      %get3A_634 = tpu.vector_load %arg9[%get3A_632, %get3A_633] {strides = array<i32>} : memref<200x128xf32, #tpu.memory_space<vmem>>, vector<16xf32>,
      %add3A_635 = arith.addf %scan3A_604, %get3A_634 : vector<16xf32>
      scf.yield %add3A_607, %add3A_611, %add3A_615, %add3A_619, %add3A_623, %add3A_627, %add3A_631, %add3A_635 : vector<16xf32>, vector<16xf32>, vector<16xf32>, vector<16xf32>, vector<16xf32>, vector<16xf32>, vector<16xf32>, vector<16xf32>
    }
    %scan3A_459 = arith.constant 200 : i32
    %swap3A_460 = arith.constant 3 : i32
    %swap3A_461 = arith.constant 0 : i32
    %swap3A_462 = arith.index_cast %swap3A_460 : i32 to index
    %swap3A_463 = arith.index_cast %swap3A_461 : i32 to index
    %swap3A_464 = arith.constant 0 : index
    %swap3A_465 = tpu.vector_load %arg10[%swap3A_462, %swap3A_463, %swap3A_464] {strides = array<i32>} : memref<4x1x128xf32, #tpu.memory_space<vmem>>, vector<16xf32>,
    tpu.vector_store %arg10[%swap3A_462, %swap3A_463, %swap3A_464], %scan3A_458#0 {strides = array<i32>} : memref<4x1x128xf32, #tpu.memory_space<vmem>>, vector<16xf32>,
    %swap3A_466 = arith.constant 3 : i32
    %swap3A_467 = arith.constant 0 : i32
    %swap3A_468 = arith.index_cast %swap3A_466 : i32 to index
    %swap3A_469 = arith.index_cast %swap3A_467 : i32 to index
    %swap3A_470 = arith.constant 16 : index
    %swap3A_471 = tpu.vector_load %arg10[%swap3A_468, %swap3A_469, %swap3A_470] {strides = array<i32>} : memref<4x1x128xf32, #tpu.memory_space<vmem>>, vector<16xf32>,
    tpu.vector_store %arg10[%swap3A_468, %swap3A_469, %swap3A_470], %scan3A_458#1 {strides = array<i32>} : memref<4x1x128xf32, #tpu.memory_space<vmem>>, vector<16xf32>,
    %swap3A_472 = arith.constant 3 : i32
    %swap3A_473 = arith.constant 0 : i32
    %swap3A_474 = arith.index_cast %swap3A_472 : i32 to index
    %swap3A_475 = arith.index_cast %swap3A_473 : i32 to index
    %swap3A_476 = arith.constant 32 : index
    %swap3A_477 = tpu.vector_load %arg10[%swap3A_474, %swap3A_475, %swap3A_476] {strides = array<i32>} : memref<4x1x128xf32, #tpu.memory_space<vmem>>, vector<16xf32>,
    tpu.vector_store %arg10[%swap3A_474, %swap3A_475, %swap3A_476], %scan3A_458#2 {strides = array<i32>} : memref<4x1x128xf32, #tpu.memory_space<vmem>>, vector<16xf32>,
    %swap3A_478 = arith.constant 3 : i32
    %swap3A_479 = arith.constant 0 : i32
    %swap3A_480 = arith.index_cast %swap3A_478 : i32 to index
    %swap3A_481 = arith.index_cast %swap3A_479 : i32 to index
    %swap3A_482 = arith.constant 48 : index
    %swap3A_483 = tpu.vector_load %arg10[%swap3A_480, %swap3A_481, %swap3A_482] {strides = array<i32>} : memref<4x1x128xf32, #tpu.memory_space<vmem>>, vector<16xf32>,
    tpu.vector_store %arg10[%swap3A_480, %swap3A_481, %swap3A_482], %scan3A_458#3 {strides = array<i32>} : memref<4x1x128xf32, #tpu.memory_space<vmem>>, vector<16xf32>,
    %swap3A_484 = arith.constant 3 : i32
    %swap3A_485 = arith.constant 0 : i32
    %swap3A_486 = arith.index_cast %swap3A_484 : i32 to index
    %swap3A_487 = arith.index_cast %swap3A_485 : i32 to index
    %swap3A_488 = arith.constant 64 : index
    %swap3A_489 = tpu.vector_load %arg10[%swap3A_486, %swap3A_487, %swap3A_488] {strides = array<i32>} : memref<4x1x128xf32, #tpu.memory_space<vmem>>, vector<16xf32>,
    tpu.vector_store %arg10[%swap3A_486, %swap3A_487, %swap3A_488], %scan3A_458#4 {strides = array<i32>} : memref<4x1x128xf32, #tpu.memory_space<vmem>>, vector<16xf32>,
    %swap3A_490 = arith.constant 3 : i32
    %swap3A_491 = arith.constant 0 : i32
    %swap3A_492 = arith.index_cast %swap3A_490 : i32 to index
    %swap3A_493 = arith.index_cast %swap3A_491 : i32 to index
    %swap3A_494 = arith.constant 80 : index
    %swap3A_495 = tpu.vector_load %arg10[%swap3A_492, %swap3A_493, %swap3A_494] {strides = array<i32>} : memref<4x1x128xf32, #tpu.memory_space<vmem>>, vector<16xf32>,
    tpu.vector_store %arg10[%swap3A_492, %swap3A_493, %swap3A_494], %scan3A_458#5 {strides = array<i32>} : memref<4x1x128xf32, #tpu.memory_space<vmem>>, vector<16xf32>,
    %swap3A_496 = arith.constant 3 : i32
    %swap3A_497 = arith.constant 0 : i32
    %swap3A_498 = arith.index_cast %swap3A_496 : i32 to index
    %swap3A_499 = arith.index_cast %swap3A_497 : i32 to index
    %swap3A_500 = arith.constant 96 : index
    %swap3A_501 = tpu.vector_load %arg10[%swap3A_498, %swap3A_499, %swap3A_500] {strides = array<i32>} : memref<4x1x128xf32, #tpu.memory_space<vmem>>, vector<16xf32>,
    tpu.vector_store %arg10[%swap3A_498, %swap3A_499, %swap3A_500], %scan3A_458#6 {strides = array<i32>} : memref<4x1x128xf32, #tpu.memory_space<vmem>>, vector<16xf32>,
    %swap3A_502 = arith.constant 3 : i32
    %swap3A_503 = arith.constant 0 : i32
    %swap3A_504 = arith.index_cast %swap3A_502 : i32 to index
    %swap3A_505 = arith.index_cast %swap3A_503 : i32 to index
    %swap3A_506 = arith.constant 112 : index
    %swap3A_507 = tpu.vector_load %arg10[%swap3A_504, %swap3A_505, %swap3A_506] {strides = array<i32>} : memref<4x1x128xf32, #tpu.memory_space<vmem>>, vector<16xf32>,
    tpu.vector_store %arg10[%swap3A_504, %swap3A_505, %swap3A_506], %scan3A_458#7 {strides = array<i32>} : memref<4x1x128xf32, #tpu.memory_space<vmem>>, vector<16xf32>,
    %mul3A_508 = arith.constant 128 : i32
    %mul3A_509 = arith.muli %add3A, %mul3A_508 : i32
    %add3A_510 = arith.constant 3 : i32
    %add3A_511 = arith.addi %mul3A_509, %add3A_510 : i32
    %dma_start3A_512 = arith.constant 3 : i32
    %dma_start3A_513 = arith.constant 0 : i32
    %dma_start3A_514 = arith.constant 0 : i32
    %dma_start3A_515 = tpu.memref_slice %arg10[%dma_start3A_512, %dma_start3A_513, %dma_start3A_514] : memref<4x1x128xf32, #tpu.memory_space<vmem>> -> memref<1x1x128xf32, #tpu.memory_space<vmem>>
    %dma_start3A_516 = arith.constant 0 : i32
    %dma_start3A_517 = arith.constant 0 : i32
    %dma_start3A_518 = tpu.memref_slice %arg4[%add3A_511, %dma_start3A_516, %dma_start3A_517] : memref<4096x1x128xf32, #tpu.memory_space<hbm>> -> memref<1x1x128xf32, #tpu.memory_space<hbm>>
    %dma_start3A_519 = arith.constant 0 : i32
    %dma_start3A_520 = arith.constant 0 : i32
    %dma_start3A_521 = tpu.memref_slice %arg4[%add3A_511, %dma_start3A_519, %dma_start3A_520] : memref<4096x1x128xf32, #tpu.memory_space<hbm>> -> memref<1x1x128xf32, #tpu.memory_space<hbm>>
    %dma_start3A_522 = arith.constant 3 : i32
    %dma_start3A_523 = arith.constant 0 : i32
    %dma_start3A_524 = arith.constant 0 : i32
    %dma_start3A_525 = tpu.memref_slice %arg10[%dma_start3A_522, %dma_start3A_523, %dma_start3A_524] : memref<4x1x128xf32, #tpu.memory_space<vmem>> -> memref<1x1x128xf32, #tpu.memory_space<vmem>>
    tpu.enqueue_dma source(%dma_start3A_525 : memref<1x1x128xf32, #tpu.memory_space<vmem>>) target(%dma_start3A_521 : memref<1x1x128xf32, #tpu.memory_space<hbm>>) target_semaphore(%arg18 : memref<!tpu.dma_semaphore, #tpu.memory_space<semaphore_mem>>)
    %scan3A_526 = arith.constant 0 : i32
    %scan3A_527 = arith.constant 1 : i32
    %scan3A_528 = arith.constant 31 : i32
    %scan3A_529 = arith.addi %scan3A_527, %scan3A_528 : i32
    %scan3A_530 = arith.constant 1 : i32
    scf.for %scan3A_596 = %scan3A_527 to %scan3A_529 step %scan3A_530  : i32 {
      %mul3A_597 = arith.constant 4 : i32
      %mul3A_598 = arith.muli %mul3A_597, %scan3A_596 : i32
      %add3A_599 = arith.constant 0 : i32
      %add3A_600 = arith.addi %mul3A_598, %add3A_599 : i32
      %mul3A_601 = arith.constant 200 : i32
      %mul3A_602 = arith.muli %add3A_600, %mul3A_601 : i32
      %dma_wait3A_603 = arith.constant 0 : i32
      %dma_wait3A_604 = arith.constant 0 : i32
      %dma_wait3A_605 = tpu.memref_slice %arg6[%dma_wait3A_603, %dma_wait3A_604] : memref<200x128xf32, #tpu.memory_space<vmem>> -> memref<128x128xf32, #tpu.memory_space<vmem>>
      %dma_wait3A_606 = tpu.memref_slice %arg5[%mul3A_602] : memref<25600xi32, #tpu.memory_space<vmem>> -> memref<128xi32, #tpu.memory_space<vmem>>
      %dma_wait3A_607 = arith.constant 0 : i32
      %dma_wait3A_608 = arith.constant 0 : i32
      %dma_wait3A_609 = tpu.memref_slice %arg3[%dma_wait3A_607, %dma_wait3A_608] : memref<1000000x128xf32, #tpu.memory_space<hbm>> -> memref<1000000x128xf32, #tpu.memory_space<hbm>>
      tpu.wait_indirect_dma semaphore(%arg11 : memref<!tpu.dma_semaphore, #tpu.memory_space<semaphore_mem>>) src(%dma_wait3A_609 : memref<1000000x128xf32, #tpu.memory_space<hbm>>) dst(%dma_wait3A_605 : memref<128x128xf32, #tpu.memory_space<vmem>>)
      %add3A_610 = arith.constant 128 : i32
      %add3A_611 = arith.addi %mul3A_602, %add3A_610 : i32
      %dma_wait3A_612 = arith.constant 128 : i32
      %dma_wait3A_613 = arith.constant 0 : i32
      %dma_wait3A_614 = tpu.memref_slice %arg6[%dma_wait3A_612, %dma_wait3A_613] : memref<200x128xf32, #tpu.memory_space<vmem>> -> memref<72x128xf32, #tpu.memory_space<vmem>>
      %dma_wait3A_615 = tpu.memref_slice %arg5[%add3A_611] : memref<25600xi32, #tpu.memory_space<vmem>> -> memref<72xi32, #tpu.memory_space<vmem>>
      %dma_wait3A_616 = arith.constant 0 : i32
      %dma_wait3A_617 = arith.constant 0 : i32
      %dma_wait3A_618 = tpu.memref_slice %arg3[%dma_wait3A_616, %dma_wait3A_617] : memref<1000000x128xf32, #tpu.memory_space<hbm>> -> memref<1000000x128xf32, #tpu.memory_space<hbm>>
      tpu.wait_indirect_dma semaphore(%arg11 : memref<!tpu.dma_semaphore, #tpu.memory_space<semaphore_mem>>) src(%dma_wait3A_618 : memref<1000000x128xf32, #tpu.memory_space<hbm>>) dst(%dma_wait3A_614 : memref<72x128xf32, #tpu.memory_space<vmem>>)
      %add3A_619 = arith.constant 4 : i32
      %add3A_620 = arith.addi %add3A_600, %add3A_619 : i32
      %sub3A = arith.constant 1 : i32
      %sub3A_621 = arith.subi %add3A_620, %sub3A : i32
      %lt3A = arith.constant 128 : i32
      %lt3A_622 = arith.cmpi slt, %sub3A_621, %lt3A : i32
      %convert_element_type3A = arith.extui %lt3A_622 : i1 to i32
      %cond3A = arith.constant 0 : i32
      %cond3A_623 = arith.cmpi ne, %convert_element_type3A, %cond3A : i32
      scf.if %cond3A_623 {
        %add3A_1129 = arith.constant 4 : i32
        %add3A_1130 = arith.addi %add3A_600, %add3A_1129 : i32
        %sub3A_1131 = arith.constant 1 : i32
        %sub3A_1132 = arith.subi %add3A_1130, %sub3A_1131 : i32
        %mul3A_1133 = arith.constant 200 : i32
        %mul3A_1134 = arith.muli %sub3A_1132, %mul3A_1133 : i32
        %dma_start3A_1135 = arith.constant 0 : i32
        %dma_start3A_1136 = arith.constant 0 : i32
        %dma_start3A_1137 = tpu.memref_slice %arg9[%dma_start3A_1135, %dma_start3A_1136] : memref<200x128xf32, #tpu.memory_space<vmem>> -> memref<128x128xf32, #tpu.memory_space<vmem>>
        %dma_start3A_1138 = tpu.memref_slice %arg5[%mul3A_1134] : memref<25600xi32, #tpu.memory_space<vmem>> -> memref<128xi32, #tpu.memory_space<vmem>>
        %dma_start3A_1139 = arith.constant 0 : i32
        %dma_start3A_1140 = arith.constant 0 : i32
        %dma_start3A_1141 = tpu.memref_slice %arg3[%dma_start3A_1139, %dma_start3A_1140] : memref<1000000x128xf32, #tpu.memory_space<hbm>> -> memref<1000000x128xf32, #tpu.memory_space<hbm>>
        tpu.enqueue_indirect_dma source(%dma_start3A_1141 : memref<1000000x128xf32, #tpu.memory_space<hbm>>) target(%dma_start3A_1137 : memref<128x128xf32, #tpu.memory_space<vmem>>) offsets(%dma_start3A_1138 : memref<128xi32, #tpu.memory_space<vmem>>) semaphore(%arg14 : memref<!tpu.dma_semaphore, #tpu.memory_space<semaphore_mem>>)
        %add3A_1142 = arith.constant 128 : i32
        %add3A_1143 = arith.addi %mul3A_1134, %add3A_1142 : i32
        %dma_start3A_1144 = arith.constant 128 : i32
        %dma_start3A_1145 = arith.constant 0 : i32
        %dma_start3A_1146 = tpu.memref_slice %arg9[%dma_start3A_1144, %dma_start3A_1145] : memref<200x128xf32, #tpu.memory_space<vmem>> -> memref<72x128xf32, #tpu.memory_space<vmem>>
        %dma_start3A_1147 = tpu.memref_slice %arg5[%add3A_1143] : memref<25600xi32, #tpu.memory_space<vmem>> -> memref<72xi32, #tpu.memory_space<vmem>>
        %dma_start3A_1148 = arith.constant 0 : i32
        %dma_start3A_1149 = arith.constant 0 : i32
        %dma_start3A_1150 = tpu.memref_slice %arg3[%dma_start3A_1148, %dma_start3A_1149] : memref<1000000x128xf32, #tpu.memory_space<hbm>> -> memref<1000000x128xf32, #tpu.memory_space<hbm>>
        tpu.enqueue_indirect_dma source(%dma_start3A_1150 : memref<1000000x128xf32, #tpu.memory_space<hbm>>) target(%dma_start3A_1146 : memref<72x128xf32, #tpu.memory_space<vmem>>) offsets(%dma_start3A_1147 : memref<72xi32, #tpu.memory_space<vmem>>) semaphore(%arg14 : memref<!tpu.dma_semaphore, #tpu.memory_space<semaphore_mem>>)
      } else {
      }
      %broadcast_in_dim3A_624 = arith.constant 0.000000e+00 : f32
      %broadcast_in_dim3A_625 = vector.broadcast %broadcast_in_dim3A_624 : f32 to vector<16xf32>
      %broadcast_in_dim3A_626 = arith.constant 0.000000e+00 : f32
      %broadcast_in_dim3A_627 = vector.broadcast %broadcast_in_dim3A_626 : f32 to vector<16xf32>
      %broadcast_in_dim3A_628 = arith.constant 0.000000e+00 : f32
      %broadcast_in_dim3A_629 = vector.broadcast %broadcast_in_dim3A_628 : f32 to vector<16xf32>
      %broadcast_in_dim3A_630 = arith.constant 0.000000e+00 : f32
      %broadcast_in_dim3A_631 = vector.broadcast %broadcast_in_dim3A_630 : f32 to vector<16xf32>
      %broadcast_in_dim3A_632 = arith.constant 0.000000e+00 : f32
      %broadcast_in_dim3A_633 = vector.broadcast %broadcast_in_dim3A_632 : f32 to vector<16xf32>
      %broadcast_in_dim3A_634 = arith.constant 0.000000e+00 : f32
      %broadcast_in_dim3A_635 = vector.broadcast %broadcast_in_dim3A_634 : f32 to vector<16xf32>
      %broadcast_in_dim3A_636 = arith.constant 0.000000e+00 : f32
      %broadcast_in_dim3A_637 = vector.broadcast %broadcast_in_dim3A_636 : f32 to vector<16xf32>
      %broadcast_in_dim3A_638 = arith.constant 0.000000e+00 : f32
      %broadcast_in_dim3A_639 = vector.broadcast %broadcast_in_dim3A_638 : f32 to vector<16xf32>
      %scan3A_640 = arith.constant 0 : i32
      %scan3A_641 = arith.constant 200 : i32
      %scan3A_642 = arith.addi %scan3A_640, %scan3A_641 : i32
      %scan3A_643 = arith.constant 1 : i32
      %scan3A_644:8 = scf.for %scan3A_1129 = %scan3A_640 to %scan3A_642 step %scan3A_643 iter_args(%scan3A_1130 = %broadcast_in_dim3A_625, %scan3A_1131 = %broadcast_in_dim3A_627, %scan3A_1132 = %broadcast_in_dim3A_629, %scan3A_1133 = %broadcast_in_dim3A_631, %scan3A_1134 = %broadcast_in_dim3A_633, %scan3A_1135 = %broadcast_in_dim3A_635, %scan3A_1136 = %broadcast_in_dim3A_637, %scan3A_1137 = %broadcast_in_dim3A_639) -> (vector<16xf32>, vector<16xf32>, vector<16xf32>, vector<16xf32>, vector<16xf32>, vector<16xf32>, vector<16xf32>, vector<16xf32>)  : i32 {
        %get3A = arith.index_cast %scan3A_1129 : i32 to index
        %get3A_1138 = arith.constant 0 : index
        %get3A_1139 = tpu.vector_load %arg6[%get3A, %get3A_1138] {strides = array<i32>} : memref<200x128xf32, #tpu.memory_space<vmem>>, vector<16xf32>,
        %add3A_1140 = arith.addf %scan3A_1130, %get3A_1139 : vector<16xf32>
        %get3A_1141 = arith.index_cast %scan3A_1129 : i32 to index
        %get3A_1142 = arith.constant 16 : index
        %get3A_1143 = tpu.vector_load %arg6[%get3A_1141, %get3A_1142] {strides = array<i32>} : memref<200x128xf32, #tpu.memory_space<vmem>>, vector<16xf32>,
        %add3A_1144 = arith.addf %scan3A_1131, %get3A_1143 : vector<16xf32>
        %get3A_1145 = arith.index_cast %scan3A_1129 : i32 to index
        %get3A_1146 = arith.constant 32 : index
        %get3A_1147 = tpu.vector_load %arg6[%get3A_1145, %get3A_1146] {strides = array<i32>} : memref<200x128xf32, #tpu.memory_space<vmem>>, vector<16xf32>,
        %add3A_1148 = arith.addf %scan3A_1132, %get3A_1147 : vector<16xf32>
        %get3A_1149 = arith.index_cast %scan3A_1129 : i32 to index
        %get3A_1150 = arith.constant 48 : index
        %get3A_1151 = tpu.vector_load %arg6[%get3A_1149, %get3A_1150] {strides = array<i32>} : memref<200x128xf32, #tpu.memory_space<vmem>>, vector<16xf32>,
        %add3A_1152 = arith.addf %scan3A_1133, %get3A_1151 : vector<16xf32>
        %get3A_1153 = arith.index_cast %scan3A_1129 : i32 to index
        %get3A_1154 = arith.constant 64 : index
        %get3A_1155 = tpu.vector_load %arg6[%get3A_1153, %get3A_1154] {strides = array<i32>} : memref<200x128xf32, #tpu.memory_space<vmem>>, vector<16xf32>,
        %add3A_1156 = arith.addf %scan3A_1134, %get3A_1155 : vector<16xf32>
        %get3A_1157 = arith.index_cast %scan3A_1129 : i32 to index
        %get3A_1158 = arith.constant 80 : index
        %get3A_1159 = tpu.vector_load %arg6[%get3A_1157, %get3A_1158] {strides = array<i32>} : memref<200x128xf32, #tpu.memory_space<vmem>>, vector<16xf32>,
        %add3A_1160 = arith.addf %scan3A_1135, %get3A_1159 : vector<16xf32>
        %get3A_1161 = arith.index_cast %scan3A_1129 : i32 to index
        %get3A_1162 = arith.constant 96 : index
        %get3A_1163 = tpu.vector_load %arg6[%get3A_1161, %get3A_1162] {strides = array<i32>} : memref<200x128xf32, #tpu.memory_space<vmem>>, vector<16xf32>,
        %add3A_1164 = arith.addf %scan3A_1136, %get3A_1163 : vector<16xf32>
        %get3A_1165 = arith.index_cast %scan3A_1129 : i32 to index
        %get3A_1166 = arith.constant 112 : index
        %get3A_1167 = tpu.vector_load %arg6[%get3A_1165, %get3A_1166] {strides = array<i32>} : memref<200x128xf32, #tpu.memory_space<vmem>>, vector<16xf32>,
        %add3A_1168 = arith.addf %scan3A_1137, %get3A_1167 : vector<16xf32>
        scf.yield %add3A_1140, %add3A_1144, %add3A_1148, %add3A_1152, %add3A_1156, %add3A_1160, %add3A_1164, %add3A_1168 : vector<16xf32>, vector<16xf32>, vector<16xf32>, vector<16xf32>, vector<16xf32>, vector<16xf32>, vector<16xf32>, vector<16xf32>
      }
      %scan3A_645 = arith.constant 200 : i32
      %dma_wait3A_646 = arith.constant 0 : i32
      %dma_wait3A_647 = arith.constant 0 : i32
      %dma_wait3A_648 = arith.constant 0 : i32
      %dma_wait3A_649 = tpu.memref_slice %arg10[%dma_wait3A_646, %dma_wait3A_647, %dma_wait3A_648] : memref<4x1x128xf32, #tpu.memory_space<vmem>> -> memref<1x1x128xf32, #tpu.memory_space<vmem>>
      %dma_wait3A_650 = arith.constant 0 : i32
      %dma_wait3A_651 = arith.constant 0 : i32
      %dma_wait3A_652 = arith.constant 0 : i32
      %dma_wait3A_653 = tpu.memref_slice %arg4[%dma_wait3A_650, %dma_wait3A_651, %dma_wait3A_652] : memref<4096x1x128xf32, #tpu.memory_space<hbm>> -> memref<1x1x128xf32, #tpu.memory_space<hbm>>
      %dma_wait3A_654 = arith.constant 0 : i32
      %dma_wait3A_655 = arith.constant 0 : i32
      %dma_wait3A_656 = arith.constant 0 : i32
      %dma_wait3A_657 = tpu.memref_slice %arg4[%dma_wait3A_654, %dma_wait3A_655, %dma_wait3A_656] : memref<4096x1x128xf32, #tpu.memory_space<hbm>> -> memref<1x1x128xf32, #tpu.memory_space<hbm>>
      %dma_wait3A_658 = arith.constant 0 : i32
      %dma_wait3A_659 = arith.constant 0 : i32
      %dma_wait3A_660 = arith.constant 0 : i32
      %dma_wait3A_661 = tpu.memref_slice %arg10[%dma_wait3A_658, %dma_wait3A_659, %dma_wait3A_660] : memref<4x1x128xf32, #tpu.memory_space<vmem>> -> memref<1x1x128xf32, #tpu.memory_space<vmem>>
      tpu.wait_dma2 semaphore(%arg15 : memref<!tpu.dma_semaphore, #tpu.memory_space<semaphore_mem>>) src(%dma_wait3A_661 : memref<1x1x128xf32, #tpu.memory_space<vmem>>) dst(%dma_wait3A_657 : memref<1x1x128xf32, #tpu.memory_space<hbm>>)
      %swap3A_662 = arith.constant 0 : i32
      %swap3A_663 = arith.constant 0 : i32
      %swap3A_664 = arith.index_cast %swap3A_662 : i32 to index
      %swap3A_665 = arith.index_cast %swap3A_663 : i32 to index
      %swap3A_666 = arith.constant 0 : index
      %swap3A_667 = tpu.vector_load %arg10[%swap3A_664, %swap3A_665, %swap3A_666] {strides = array<i32>} : memref<4x1x128xf32, #tpu.memory_space<vmem>>, vector<16xf32>,
      tpu.vector_store %arg10[%swap3A_664, %swap3A_665, %swap3A_666], %scan3A_644#0 {strides = array<i32>} : memref<4x1x128xf32, #tpu.memory_space<vmem>>, vector<16xf32>,
      %swap3A_668 = arith.constant 0 : i32
      %swap3A_669 = arith.constant 0 : i32
      %swap3A_670 = arith.index_cast %swap3A_668 : i32 to index
      %swap3A_671 = arith.index_cast %swap3A_669 : i32 to index
      %swap3A_672 = arith.constant 16 : index
      %swap3A_673 = tpu.vector_load %arg10[%swap3A_670, %swap3A_671, %swap3A_672] {strides = array<i32>} : memref<4x1x128xf32, #tpu.memory_space<vmem>>, vector<16xf32>,
      tpu.vector_store %arg10[%swap3A_670, %swap3A_671, %swap3A_672], %scan3A_644#1 {strides = array<i32>} : memref<4x1x128xf32, #tpu.memory_space<vmem>>, vector<16xf32>,
      %swap3A_674 = arith.constant 0 : i32
      %swap3A_675 = arith.constant 0 : i32
      %swap3A_676 = arith.index_cast %swap3A_674 : i32 to index
      %swap3A_677 = arith.index_cast %swap3A_675 : i32 to index
      %swap3A_678 = arith.constant 32 : index
      %swap3A_679 = tpu.vector_load %arg10[%swap3A_676, %swap3A_677, %swap3A_678] {strides = array<i32>} : memref<4x1x128xf32, #tpu.memory_space<vmem>>, vector<16xf32>,
      tpu.vector_store %arg10[%swap3A_676, %swap3A_677, %swap3A_678], %scan3A_644#2 {strides = array<i32>} : memref<4x1x128xf32, #tpu.memory_space<vmem>>, vector<16xf32>,
      %swap3A_680 = arith.constant 0 : i32
      %swap3A_681 = arith.constant 0 : i32
      %swap3A_682 = arith.index_cast %swap3A_680 : i32 to index
      %swap3A_683 = arith.index_cast %swap3A_681 : i32 to index
      %swap3A_684 = arith.constant 48 : index
      %swap3A_685 = tpu.vector_load %arg10[%swap3A_682, %swap3A_683, %swap3A_684] {strides = array<i32>} : memref<4x1x128xf32, #tpu.memory_space<vmem>>, vector<16xf32>,
      tpu.vector_store %arg10[%swap3A_682, %swap3A_683, %swap3A_684], %scan3A_644#3 {strides = array<i32>} : memref<4x1x128xf32, #tpu.memory_space<vmem>>, vector<16xf32>,
      %swap3A_686 = arith.constant 0 : i32
      %swap3A_687 = arith.constant 0 : i32
      %swap3A_688 = arith.index_cast %swap3A_686 : i32 to index
      %swap3A_689 = arith.index_cast %swap3A_687 : i32 to index
      %swap3A_690 = arith.constant 64 : index
      %swap3A_691 = tpu.vector_load %arg10[%swap3A_688, %swap3A_689, %swap3A_690] {strides = array<i32>} : memref<4x1x128xf32, #tpu.memory_space<vmem>>, vector<16xf32>,
      tpu.vector_store %arg10[%swap3A_688, %swap3A_689, %swap3A_690], %scan3A_644#4 {strides = array<i32>} : memref<4x1x128xf32, #tpu.memory_space<vmem>>, vector<16xf32>,
      %swap3A_692 = arith.constant 0 : i32
      %swap3A_693 = arith.constant 0 : i32
      %swap3A_694 = arith.index_cast %swap3A_692 : i32 to index
      %swap3A_695 = arith.index_cast %swap3A_693 : i32 to index
      %swap3A_696 = arith.constant 80 : index
      %swap3A_697 = tpu.vector_load %arg10[%swap3A_694, %swap3A_695, %swap3A_696] {strides = array<i32>} : memref<4x1x128xf32, #tpu.memory_space<vmem>>, vector<16xf32>,
      tpu.vector_store %arg10[%swap3A_694, %swap3A_695, %swap3A_696], %scan3A_644#5 {strides = array<i32>} : memref<4x1x128xf32, #tpu.memory_space<vmem>>, vector<16xf32>,
      %swap3A_698 = arith.constant 0 : i32
      %swap3A_699 = arith.constant 0 : i32
      %swap3A_700 = arith.index_cast %swap3A_698 : i32 to index
      %swap3A_701 = arith.index_cast %swap3A_699 : i32 to index
      %swap3A_702 = arith.constant 96 : index
      %swap3A_703 = tpu.vector_load %arg10[%swap3A_700, %swap3A_701, %swap3A_702] {strides = array<i32>} : memref<4x1x128xf32, #tpu.memory_space<vmem>>, vector<16xf32>,
      tpu.vector_store %arg10[%swap3A_700, %swap3A_701, %swap3A_702], %scan3A_644#6 {strides = array<i32>} : memref<4x1x128xf32, #tpu.memory_space<vmem>>, vector<16xf32>,
      %swap3A_704 = arith.constant 0 : i32
      %swap3A_705 = arith.constant 0 : i32
      %swap3A_706 = arith.index_cast %swap3A_704 : i32 to index
      %swap3A_707 = arith.index_cast %swap3A_705 : i32 to index
      %swap3A_708 = arith.constant 112 : index
      %swap3A_709 = tpu.vector_load %arg10[%swap3A_706, %swap3A_707, %swap3A_708] {strides = array<i32>} : memref<4x1x128xf32, #tpu.memory_space<vmem>>, vector<16xf32>,
      tpu.vector_store %arg10[%swap3A_706, %swap3A_707, %swap3A_708], %scan3A_644#7 {strides = array<i32>} : memref<4x1x128xf32, #tpu.memory_space<vmem>>, vector<16xf32>,
      %mul3A_710 = arith.constant 128 : i32
      %mul3A_711 = arith.muli %add3A, %mul3A_710 : i32
      %add3A_712 = arith.addi %mul3A_711, %add3A_600 : i32
      %dma_start3A_713 = arith.constant 0 : i32
      %dma_start3A_714 = arith.constant 0 : i32
      %dma_start3A_715 = arith.constant 0 : i32
      %dma_start3A_716 = tpu.memref_slice %arg10[%dma_start3A_713, %dma_start3A_714, %dma_start3A_715] : memref<4x1x128xf32, #tpu.memory_space<vmem>> -> memref<1x1x128xf32, #tpu.memory_space<vmem>>
      %dma_start3A_717 = arith.constant 0 : i32
      %dma_start3A_718 = arith.constant 0 : i32
      %dma_start3A_719 = tpu.memref_slice %arg4[%add3A_712, %dma_start3A_717, %dma_start3A_718] : memref<4096x1x128xf32, #tpu.memory_space<hbm>> -> memref<1x1x128xf32, #tpu.memory_space<hbm>>
      %dma_start3A_720 = arith.constant 0 : i32
      %dma_start3A_721 = arith.constant 0 : i32
      %dma_start3A_722 = tpu.memref_slice %arg4[%add3A_712, %dma_start3A_720, %dma_start3A_721] : memref<4096x1x128xf32, #tpu.memory_space<hbm>> -> memref<1x1x128xf32, #tpu.memory_space<hbm>>
      %dma_start3A_723 = arith.constant 0 : i32
      %dma_start3A_724 = arith.constant 0 : i32
      %dma_start3A_725 = arith.constant 0 : i32
      %dma_start3A_726 = tpu.memref_slice %arg10[%dma_start3A_723, %dma_start3A_724, %dma_start3A_725] : memref<4x1x128xf32, #tpu.memory_space<vmem>> -> memref<1x1x128xf32, #tpu.memory_space<vmem>>
      tpu.enqueue_dma source(%dma_start3A_726 : memref<1x1x128xf32, #tpu.memory_space<vmem>>) target(%dma_start3A_722 : memref<1x1x128xf32, #tpu.memory_space<hbm>>) target_semaphore(%arg15 : memref<!tpu.dma_semaphore, #tpu.memory_space<semaphore_mem>>)
      %mul3A_727 = arith.constant 4 : i32
      %mul3A_728 = arith.muli %mul3A_727, %scan3A_596 : i32
      %add3A_729 = arith.constant 1 : i32
      %add3A_730 = arith.addi %mul3A_728, %add3A_729 : i32
      %mul3A_731 = arith.constant 200 : i32
      %mul3A_732 = arith.muli %add3A_730, %mul3A_731 : i32
      %dma_wait3A_733 = arith.constant 0 : i32
      %dma_wait3A_734 = arith.constant 0 : i32
      %dma_wait3A_735 = tpu.memref_slice %arg7[%dma_wait3A_733, %dma_wait3A_734] : memref<200x128xf32, #tpu.memory_space<vmem>> -> memref<128x128xf32, #tpu.memory_space<vmem>>
      %dma_wait3A_736 = tpu.memref_slice %arg5[%mul3A_732] : memref<25600xi32, #tpu.memory_space<vmem>> -> memref<128xi32, #tpu.memory_space<vmem>>
      %dma_wait3A_737 = arith.constant 0 : i32
      %dma_wait3A_738 = arith.constant 0 : i32
      %dma_wait3A_739 = tpu.memref_slice %arg3[%dma_wait3A_737, %dma_wait3A_738] : memref<1000000x128xf32, #tpu.memory_space<hbm>> -> memref<1000000x128xf32, #tpu.memory_space<hbm>>
      tpu.wait_indirect_dma semaphore(%arg12 : memref<!tpu.dma_semaphore, #tpu.memory_space<semaphore_mem>>) src(%dma_wait3A_739 : memref<1000000x128xf32, #tpu.memory_space<hbm>>) dst(%dma_wait3A_735 : memref<128x128xf32, #tpu.memory_space<vmem>>)
      %add3A_740 = arith.constant 128 : i32
      %add3A_741 = arith.addi %mul3A_732, %add3A_740 : i32
      %dma_wait3A_742 = arith.constant 128 : i32
      %dma_wait3A_743 = arith.constant 0 : i32
      %dma_wait3A_744 = tpu.memref_slice %arg7[%dma_wait3A_742, %dma_wait3A_743] : memref<200x128xf32, #tpu.memory_space<vmem>> -> memref<72x128xf32, #tpu.memory_space<vmem>>
      %dma_wait3A_745 = tpu.memref_slice %arg5[%add3A_741] : memref<25600xi32, #tpu.memory_space<vmem>> -> memref<72xi32, #tpu.memory_space<vmem>>
      %dma_wait3A_746 = arith.constant 0 : i32
      %dma_wait3A_747 = arith.constant 0 : i32
      %dma_wait3A_748 = tpu.memref_slice %arg3[%dma_wait3A_746, %dma_wait3A_747] : memref<1000000x128xf32, #tpu.memory_space<hbm>> -> memref<1000000x128xf32, #tpu.memory_space<hbm>>
      tpu.wait_indirect_dma semaphore(%arg12 : memref<!tpu.dma_semaphore, #tpu.memory_space<semaphore_mem>>) src(%dma_wait3A_748 : memref<1000000x128xf32, #tpu.memory_space<hbm>>) dst(%dma_wait3A_744 : memref<72x128xf32, #tpu.memory_space<vmem>>)
      %add3A_749 = arith.constant 4 : i32
      %add3A_750 = arith.addi %add3A_730, %add3A_749 : i32
      %sub3A_751 = arith.constant 1 : i32
      %sub3A_752 = arith.subi %add3A_750, %sub3A_751 : i32
      %lt3A_753 = arith.constant 128 : i32
      %lt3A_754 = arith.cmpi slt, %sub3A_752, %lt3A_753 : i32
      %convert_element_type3A_755 = arith.extui %lt3A_754 : i1 to i32
      %cond3A_756 = arith.constant 0 : i32
      %cond3A_757 = arith.cmpi ne, %convert_element_type3A_755, %cond3A_756 : i32
      scf.if %cond3A_757 {
        %add3A_1129 = arith.constant 4 : i32
        %add3A_1130 = arith.addi %add3A_730, %add3A_1129 : i32
        %sub3A_1131 = arith.constant 1 : i32
        %sub3A_1132 = arith.subi %add3A_1130, %sub3A_1131 : i32
        %mul3A_1133 = arith.constant 200 : i32
        %mul3A_1134 = arith.muli %sub3A_1132, %mul3A_1133 : i32
        %dma_start3A_1135 = arith.constant 0 : i32
        %dma_start3A_1136 = arith.constant 0 : i32
        %dma_start3A_1137 = tpu.memref_slice %arg6[%dma_start3A_1135, %dma_start3A_1136] : memref<200x128xf32, #tpu.memory_space<vmem>> -> memref<128x128xf32, #tpu.memory_space<vmem>>
        %dma_start3A_1138 = tpu.memref_slice %arg5[%mul3A_1134] : memref<25600xi32, #tpu.memory_space<vmem>> -> memref<128xi32, #tpu.memory_space<vmem>>
        %dma_start3A_1139 = arith.constant 0 : i32
        %dma_start3A_1140 = arith.constant 0 : i32
        %dma_start3A_1141 = tpu.memref_slice %arg3[%dma_start3A_1139, %dma_start3A_1140] : memref<1000000x128xf32, #tpu.memory_space<hbm>> -> memref<1000000x128xf32, #tpu.memory_space<hbm>>
        tpu.enqueue_indirect_dma source(%dma_start3A_1141 : memref<1000000x128xf32, #tpu.memory_space<hbm>>) target(%dma_start3A_1137 : memref<128x128xf32, #tpu.memory_space<vmem>>) offsets(%dma_start3A_1138 : memref<128xi32, #tpu.memory_space<vmem>>) semaphore(%arg11 : memref<!tpu.dma_semaphore, #tpu.memory_space<semaphore_mem>>)
        %add3A_1142 = arith.constant 128 : i32
        %add3A_1143 = arith.addi %mul3A_1134, %add3A_1142 : i32
        %dma_start3A_1144 = arith.constant 128 : i32
        %dma_start3A_1145 = arith.constant 0 : i32
        %dma_start3A_1146 = tpu.memref_slice %arg6[%dma_start3A_1144, %dma_start3A_1145] : memref<200x128xf32, #tpu.memory_space<vmem>> -> memref<72x128xf32, #tpu.memory_space<vmem>>
        %dma_start3A_1147 = tpu.memref_slice %arg5[%add3A_1143] : memref<25600xi32, #tpu.memory_space<vmem>> -> memref<72xi32, #tpu.memory_space<vmem>>
        %dma_start3A_1148 = arith.constant 0 : i32
        %dma_start3A_1149 = arith.constant 0 : i32
        %dma_start3A_1150 = tpu.memref_slice %arg3[%dma_start3A_1148, %dma_start3A_1149] : memref<1000000x128xf32, #tpu.memory_space<hbm>> -> memref<1000000x128xf32, #tpu.memory_space<hbm>>
        tpu.enqueue_indirect_dma source(%dma_start3A_1150 : memref<1000000x128xf32, #tpu.memory_space<hbm>>) target(%dma_start3A_1146 : memref<72x128xf32, #tpu.memory_space<vmem>>) offsets(%dma_start3A_1147 : memref<72xi32, #tpu.memory_space<vmem>>) semaphore(%arg11 : memref<!tpu.dma_semaphore, #tpu.memory_space<semaphore_mem>>)
      } else {
      }
      %broadcast_in_dim3A_758 = arith.constant 0.000000e+00 : f32
      %broadcast_in_dim3A_759 = vector.broadcast %broadcast_in_dim3A_758 : f32 to vector<16xf32>
      %broadcast_in_dim3A_760 = arith.constant 0.000000e+00 : f32
      %broadcast_in_dim3A_761 = vector.broadcast %broadcast_in_dim3A_760 : f32 to vector<16xf32>
      %broadcast_in_dim3A_762 = arith.constant 0.000000e+00 : f32
      %broadcast_in_dim3A_763 = vector.broadcast %broadcast_in_dim3A_762 : f32 to vector<16xf32>
      %broadcast_in_dim3A_764 = arith.constant 0.000000e+00 : f32
      %broadcast_in_dim3A_765 = vector.broadcast %broadcast_in_dim3A_764 : f32 to vector<16xf32>
      %broadcast_in_dim3A_766 = arith.constant 0.000000e+00 : f32
      %broadcast_in_dim3A_767 = vector.broadcast %broadcast_in_dim3A_766 : f32 to vector<16xf32>
      %broadcast_in_dim3A_768 = arith.constant 0.000000e+00 : f32
      %broadcast_in_dim3A_769 = vector.broadcast %broadcast_in_dim3A_768 : f32 to vector<16xf32>
      %broadcast_in_dim3A_770 = arith.constant 0.000000e+00 : f32
      %broadcast_in_dim3A_771 = vector.broadcast %broadcast_in_dim3A_770 : f32 to vector<16xf32>
      %broadcast_in_dim3A_772 = arith.constant 0.000000e+00 : f32
      %broadcast_in_dim3A_773 = vector.broadcast %broadcast_in_dim3A_772 : f32 to vector<16xf32>
      %scan3A_774 = arith.constant 0 : i32
      %scan3A_775 = arith.constant 200 : i32
      %scan3A_776 = arith.addi %scan3A_774, %scan3A_775 : i32
      %scan3A_777 = arith.constant 1 : i32
      %scan3A_778:8 = scf.for %scan3A_1129 = %scan3A_774 to %scan3A_776 step %scan3A_777 iter_args(%scan3A_1130 = %broadcast_in_dim3A_759, %scan3A_1131 = %broadcast_in_dim3A_761, %scan3A_1132 = %broadcast_in_dim3A_763, %scan3A_1133 = %broadcast_in_dim3A_765, %scan3A_1134 = %broadcast_in_dim3A_767, %scan3A_1135 = %broadcast_in_dim3A_769, %scan3A_1136 = %broadcast_in_dim3A_771, %scan3A_1137 = %broadcast_in_dim3A_773) -> (vector<16xf32>, vector<16xf32>, vector<16xf32>, vector<16xf32>, vector<16xf32>, vector<16xf32>, vector<16xf32>, vector<16xf32>)  : i32 {
        %get3A = arith.index_cast %scan3A_1129 : i32 to index
        %get3A_1138 = arith.constant 0 : index
        %get3A_1139 = tpu.vector_load %arg7[%get3A, %get3A_1138] {strides = array<i32>} : memref<200x128xf32, #tpu.memory_space<vmem>>, vector<16xf32>,
        %add3A_1140 = arith.addf %scan3A_1130, %get3A_1139 : vector<16xf32>
        %get3A_1141 = arith.index_cast %scan3A_1129 : i32 to index
        %get3A_1142 = arith.constant 16 : index
        %get3A_1143 = tpu.vector_load %arg7[%get3A_1141, %get3A_1142] {strides = array<i32>} : memref<200x128xf32, #tpu.memory_space<vmem>>, vector<16xf32>,
        %add3A_1144 = arith.addf %scan3A_1131, %get3A_1143 : vector<16xf32>
        %get3A_1145 = arith.index_cast %scan3A_1129 : i32 to index
        %get3A_1146 = arith.constant 32 : index
        %get3A_1147 = tpu.vector_load %arg7[%get3A_1145, %get3A_1146] {strides = array<i32>} : memref<200x128xf32, #tpu.memory_space<vmem>>, vector<16xf32>,
        %add3A_1148 = arith.addf %scan3A_1132, %get3A_1147 : vector<16xf32>
        %get3A_1149 = arith.index_cast %scan3A_1129 : i32 to index
        %get3A_1150 = arith.constant 48 : index
        %get3A_1151 = tpu.vector_load %arg7[%get3A_1149, %get3A_1150] {strides = array<i32>} : memref<200x128xf32, #tpu.memory_space<vmem>>, vector<16xf32>,
        %add3A_1152 = arith.addf %scan3A_1133, %get3A_1151 : vector<16xf32>
        %get3A_1153 = arith.index_cast %scan3A_1129 : i32 to index
        %get3A_1154 = arith.constant 64 : index
        %get3A_1155 = tpu.vector_load %arg7[%get3A_1153, %get3A_1154] {strides = array<i32>} : memref<200x128xf32, #tpu.memory_space<vmem>>, vector<16xf32>,
        %add3A_1156 = arith.addf %scan3A_1134, %get3A_1155 : vector<16xf32>
        %get3A_1157 = arith.index_cast %scan3A_1129 : i32 to index
        %get3A_1158 = arith.constant 80 : index
        %get3A_1159 = tpu.vector_load %arg7[%get3A_1157, %get3A_1158] {strides = array<i32>} : memref<200x128xf32, #tpu.memory_space<vmem>>, vector<16xf32>,
        %add3A_1160 = arith.addf %scan3A_1135, %get3A_1159 : vector<16xf32>
        %get3A_1161 = arith.index_cast %scan3A_1129 : i32 to index
        %get3A_1162 = arith.constant 96 : index
        %get3A_1163 = tpu.vector_load %arg7[%get3A_1161, %get3A_1162] {strides = array<i32>} : memref<200x128xf32, #tpu.memory_space<vmem>>, vector<16xf32>,
        %add3A_1164 = arith.addf %scan3A_1136, %get3A_1163 : vector<16xf32>
        %get3A_1165 = arith.index_cast %scan3A_1129 : i32 to index
        %get3A_1166 = arith.constant 112 : index
        %get3A_1167 = tpu.vector_load %arg7[%get3A_1165, %get3A_1166] {strides = array<i32>} : memref<200x128xf32, #tpu.memory_space<vmem>>, vector<16xf32>,
        %add3A_1168 = arith.addf %scan3A_1137, %get3A_1167 : vector<16xf32>
        scf.yield %add3A_1140, %add3A_1144, %add3A_1148, %add3A_1152, %add3A_1156, %add3A_1160, %add3A_1164, %add3A_1168 : vector<16xf32>, vector<16xf32>, vector<16xf32>, vector<16xf32>, vector<16xf32>, vector<16xf32>, vector<16xf32>, vector<16xf32>
      }
      %scan3A_779 = arith.constant 200 : i32
      %dma_wait3A_780 = arith.constant 1 : i32
      %dma_wait3A_781 = arith.constant 0 : i32
      %dma_wait3A_782 = arith.constant 0 : i32
      %dma_wait3A_783 = tpu.memref_slice %arg10[%dma_wait3A_780, %dma_wait3A_781, %dma_wait3A_782] : memref<4x1x128xf32, #tpu.memory_space<vmem>> -> memref<1x1x128xf32, #tpu.memory_space<vmem>>
      %dma_wait3A_784 = arith.constant 0 : i32
      %dma_wait3A_785 = arith.constant 0 : i32
      %dma_wait3A_786 = arith.constant 0 : i32
      %dma_wait3A_787 = tpu.memref_slice %arg4[%dma_wait3A_784, %dma_wait3A_785, %dma_wait3A_786] : memref<4096x1x128xf32, #tpu.memory_space<hbm>> -> memref<1x1x128xf32, #tpu.memory_space<hbm>>
      %dma_wait3A_788 = arith.constant 0 : i32
      %dma_wait3A_789 = arith.constant 0 : i32
      %dma_wait3A_790 = arith.constant 0 : i32
      %dma_wait3A_791 = tpu.memref_slice %arg4[%dma_wait3A_788, %dma_wait3A_789, %dma_wait3A_790] : memref<4096x1x128xf32, #tpu.memory_space<hbm>> -> memref<1x1x128xf32, #tpu.memory_space<hbm>>
      %dma_wait3A_792 = arith.constant 1 : i32
      %dma_wait3A_793 = arith.constant 0 : i32
      %dma_wait3A_794 = arith.constant 0 : i32
      %dma_wait3A_795 = tpu.memref_slice %arg10[%dma_wait3A_792, %dma_wait3A_793, %dma_wait3A_794] : memref<4x1x128xf32, #tpu.memory_space<vmem>> -> memref<1x1x128xf32, #tpu.memory_space<vmem>>
      tpu.wait_dma2 semaphore(%arg16 : memref<!tpu.dma_semaphore, #tpu.memory_space<semaphore_mem>>) src(%dma_wait3A_795 : memref<1x1x128xf32, #tpu.memory_space<vmem>>) dst(%dma_wait3A_791 : memref<1x1x128xf32, #tpu.memory_space<hbm>>)
      %swap3A_796 = arith.constant 1 : i32
      %swap3A_797 = arith.constant 0 : i32
      %swap3A_798 = arith.index_cast %swap3A_796 : i32 to index
      %swap3A_799 = arith.index_cast %swap3A_797 : i32 to index
      %swap3A_800 = arith.constant 0 : index
      %swap3A_801 = tpu.vector_load %arg10[%swap3A_798, %swap3A_799, %swap3A_800] {strides = array<i32>} : memref<4x1x128xf32, #tpu.memory_space<vmem>>, vector<16xf32>,
      tpu.vector_store %arg10[%swap3A_798, %swap3A_799, %swap3A_800], %scan3A_778#0 {strides = array<i32>} : memref<4x1x128xf32, #tpu.memory_space<vmem>>, vector<16xf32>,
      %swap3A_802 = arith.constant 1 : i32
      %swap3A_803 = arith.constant 0 : i32
      %swap3A_804 = arith.index_cast %swap3A_802 : i32 to index
      %swap3A_805 = arith.index_cast %swap3A_803 : i32 to index
      %swap3A_806 = arith.constant 16 : index
      %swap3A_807 = tpu.vector_load %arg10[%swap3A_804, %swap3A_805, %swap3A_806] {strides = array<i32>} : memref<4x1x128xf32, #tpu.memory_space<vmem>>, vector<16xf32>,
      tpu.vector_store %arg10[%swap3A_804, %swap3A_805, %swap3A_806], %scan3A_778#1 {strides = array<i32>} : memref<4x1x128xf32, #tpu.memory_space<vmem>>, vector<16xf32>,
      %swap3A_808 = arith.constant 1 : i32
      %swap3A_809 = arith.constant 0 : i32
      %swap3A_810 = arith.index_cast %swap3A_808 : i32 to index
      %swap3A_811 = arith.index_cast %swap3A_809 : i32 to index
      %swap3A_812 = arith.constant 32 : index
      %swap3A_813 = tpu.vector_load %arg10[%swap3A_810, %swap3A_811, %swap3A_812] {strides = array<i32>} : memref<4x1x128xf32, #tpu.memory_space<vmem>>, vector<16xf32>,
      tpu.vector_store %arg10[%swap3A_810, %swap3A_811, %swap3A_812], %scan3A_778#2 {strides = array<i32>} : memref<4x1x128xf32, #tpu.memory_space<vmem>>, vector<16xf32>,
      %swap3A_814 = arith.constant 1 : i32
      %swap3A_815 = arith.constant 0 : i32
      %swap3A_816 = arith.index_cast %swap3A_814 : i32 to index
      %swap3A_817 = arith.index_cast %swap3A_815 : i32 to index
      %swap3A_818 = arith.constant 48 : index
      %swap3A_819 = tpu.vector_load %arg10[%swap3A_816, %swap3A_817, %swap3A_818] {strides = array<i32>} : memref<4x1x128xf32, #tpu.memory_space<vmem>>, vector<16xf32>,
      tpu.vector_store %arg10[%swap3A_816, %swap3A_817, %swap3A_818], %scan3A_778#3 {strides = array<i32>} : memref<4x1x128xf32, #tpu.memory_space<vmem>>, vector<16xf32>,
      %swap3A_820 = arith.constant 1 : i32
      %swap3A_821 = arith.constant 0 : i32
      %swap3A_822 = arith.index_cast %swap3A_820 : i32 to index
      %swap3A_823 = arith.index_cast %swap3A_821 : i32 to index
      %swap3A_824 = arith.constant 64 : index
      %swap3A_825 = tpu.vector_load %arg10[%swap3A_822, %swap3A_823, %swap3A_824] {strides = array<i32>} : memref<4x1x128xf32, #tpu.memory_space<vmem>>, vector<16xf32>,
      tpu.vector_store %arg10[%swap3A_822, %swap3A_823, %swap3A_824], %scan3A_778#4 {strides = array<i32>} : memref<4x1x128xf32, #tpu.memory_space<vmem>>, vector<16xf32>,
      %swap3A_826 = arith.constant 1 : i32
      %swap3A_827 = arith.constant 0 : i32
      %swap3A_828 = arith.index_cast %swap3A_826 : i32 to index
      %swap3A_829 = arith.index_cast %swap3A_827 : i32 to index
      %swap3A_830 = arith.constant 80 : index
      %swap3A_831 = tpu.vector_load %arg10[%swap3A_828, %swap3A_829, %swap3A_830] {strides = array<i32>} : memref<4x1x128xf32, #tpu.memory_space<vmem>>, vector<16xf32>,
      tpu.vector_store %arg10[%swap3A_828, %swap3A_829, %swap3A_830], %scan3A_778#5 {strides = array<i32>} : memref<4x1x128xf32, #tpu.memory_space<vmem>>, vector<16xf32>,
      %swap3A_832 = arith.constant 1 : i32
      %swap3A_833 = arith.constant 0 : i32
      %swap3A_834 = arith.index_cast %swap3A_832 : i32 to index
      %swap3A_835 = arith.index_cast %swap3A_833 : i32 to index
      %swap3A_836 = arith.constant 96 : index
      %swap3A_837 = tpu.vector_load %arg10[%swap3A_834, %swap3A_835, %swap3A_836] {strides = array<i32>} : memref<4x1x128xf32, #tpu.memory_space<vmem>>, vector<16xf32>,
      tpu.vector_store %arg10[%swap3A_834, %swap3A_835, %swap3A_836], %scan3A_778#6 {strides = array<i32>} : memref<4x1x128xf32, #tpu.memory_space<vmem>>, vector<16xf32>,
      %swap3A_838 = arith.constant 1 : i32
      %swap3A_839 = arith.constant 0 : i32
      %swap3A_840 = arith.index_cast %swap3A_838 : i32 to index
      %swap3A_841 = arith.index_cast %swap3A_839 : i32 to index
      %swap3A_842 = arith.constant 112 : index
      %swap3A_843 = tpu.vector_load %arg10[%swap3A_840, %swap3A_841, %swap3A_842] {strides = array<i32>} : memref<4x1x128xf32, #tpu.memory_space<vmem>>, vector<16xf32>,
      tpu.vector_store %arg10[%swap3A_840, %swap3A_841, %swap3A_842], %scan3A_778#7 {strides = array<i32>} : memref<4x1x128xf32, #tpu.memory_space<vmem>>, vector<16xf32>,
      %mul3A_844 = arith.constant 128 : i32
      %mul3A_845 = arith.muli %add3A, %mul3A_844 : i32
      %add3A_846 = arith.addi %mul3A_845, %add3A_730 : i32
      %dma_start3A_847 = arith.constant 1 : i32
      %dma_start3A_848 = arith.constant 0 : i32
      %dma_start3A_849 = arith.constant 0 : i32
      %dma_start3A_850 = tpu.memref_slice %arg10[%dma_start3A_847, %dma_start3A_848, %dma_start3A_849] : memref<4x1x128xf32, #tpu.memory_space<vmem>> -> memref<1x1x128xf32, #tpu.memory_space<vmem>>
      %dma_start3A_851 = arith.constant 0 : i32
      %dma_start3A_852 = arith.constant 0 : i32
      %dma_start3A_853 = tpu.memref_slice %arg4[%add3A_846, %dma_start3A_851, %dma_start3A_852] : memref<4096x1x128xf32, #tpu.memory_space<hbm>> -> memref<1x1x128xf32, #tpu.memory_space<hbm>>
      %dma_start3A_854 = arith.constant 0 : i32
      %dma_start3A_855 = arith.constant 0 : i32
      %dma_start3A_856 = tpu.memref_slice %arg4[%add3A_846, %dma_start3A_854, %dma_start3A_855] : memref<4096x1x128xf32, #tpu.memory_space<hbm>> -> memref<1x1x128xf32, #tpu.memory_space<hbm>>
      %dma_start3A_857 = arith.constant 1 : i32
      %dma_start3A_858 = arith.constant 0 : i32
      %dma_start3A_859 = arith.constant 0 : i32
      %dma_start3A_860 = tpu.memref_slice %arg10[%dma_start3A_857, %dma_start3A_858, %dma_start3A_859] : memref<4x1x128xf32, #tpu.memory_space<vmem>> -> memref<1x1x128xf32, #tpu.memory_space<vmem>>
      tpu.enqueue_dma source(%dma_start3A_860 : memref<1x1x128xf32, #tpu.memory_space<vmem>>) target(%dma_start3A_856 : memref<1x1x128xf32, #tpu.memory_space<hbm>>) target_semaphore(%arg16 : memref<!tpu.dma_semaphore, #tpu.memory_space<semaphore_mem>>)
      %mul3A_861 = arith.constant 4 : i32
      %mul3A_862 = arith.muli %mul3A_861, %scan3A_596 : i32
      %add3A_863 = arith.constant 2 : i32
      %add3A_864 = arith.addi %mul3A_862, %add3A_863 : i32
      %mul3A_865 = arith.constant 200 : i32
      %mul3A_866 = arith.muli %add3A_864, %mul3A_865 : i32
      %dma_wait3A_867 = arith.constant 0 : i32
      %dma_wait3A_868 = arith.constant 0 : i32
      %dma_wait3A_869 = tpu.memref_slice %arg8[%dma_wait3A_867, %dma_wait3A_868] : memref<200x128xf32, #tpu.memory_space<vmem>> -> memref<128x128xf32, #tpu.memory_space<vmem>>
      %dma_wait3A_870 = tpu.memref_slice %arg5[%mul3A_866] : memref<25600xi32, #tpu.memory_space<vmem>> -> memref<128xi32, #tpu.memory_space<vmem>>
      %dma_wait3A_871 = arith.constant 0 : i32
      %dma_wait3A_872 = arith.constant 0 : i32
      %dma_wait3A_873 = tpu.memref_slice %arg3[%dma_wait3A_871, %dma_wait3A_872] : memref<1000000x128xf32, #tpu.memory_space<hbm>> -> memref<1000000x128xf32, #tpu.memory_space<hbm>>
      tpu.wait_indirect_dma semaphore(%arg13 : memref<!tpu.dma_semaphore, #tpu.memory_space<semaphore_mem>>) src(%dma_wait3A_873 : memref<1000000x128xf32, #tpu.memory_space<hbm>>) dst(%dma_wait3A_869 : memref<128x128xf32, #tpu.memory_space<vmem>>)
      %add3A_874 = arith.constant 128 : i32
      %add3A_875 = arith.addi %mul3A_866, %add3A_874 : i32
      %dma_wait3A_876 = arith.constant 128 : i32
      %dma_wait3A_877 = arith.constant 0 : i32
      %dma_wait3A_878 = tpu.memref_slice %arg8[%dma_wait3A_876, %dma_wait3A_877] : memref<200x128xf32, #tpu.memory_space<vmem>> -> memref<72x128xf32, #tpu.memory_space<vmem>>
      %dma_wait3A_879 = tpu.memref_slice %arg5[%add3A_875] : memref<25600xi32, #tpu.memory_space<vmem>> -> memref<72xi32, #tpu.memory_space<vmem>>
      %dma_wait3A_880 = arith.constant 0 : i32
      %dma_wait3A_881 = arith.constant 0 : i32
      %dma_wait3A_882 = tpu.memref_slice %arg3[%dma_wait3A_880, %dma_wait3A_881] : memref<1000000x128xf32, #tpu.memory_space<hbm>> -> memref<1000000x128xf32, #tpu.memory_space<hbm>>
      tpu.wait_indirect_dma semaphore(%arg13 : memref<!tpu.dma_semaphore, #tpu.memory_space<semaphore_mem>>) src(%dma_wait3A_882 : memref<1000000x128xf32, #tpu.memory_space<hbm>>) dst(%dma_wait3A_878 : memref<72x128xf32, #tpu.memory_space<vmem>>)
      %add3A_883 = arith.constant 4 : i32
      %add3A_884 = arith.addi %add3A_864, %add3A_883 : i32
      %sub3A_885 = arith.constant 1 : i32
      %sub3A_886 = arith.subi %add3A_884, %sub3A_885 : i32
      %lt3A_887 = arith.constant 128 : i32
      %lt3A_888 = arith.cmpi slt, %sub3A_886, %lt3A_887 : i32
      %convert_element_type3A_889 = arith.extui %lt3A_888 : i1 to i32
      %cond3A_890 = arith.constant 0 : i32
      %cond3A_891 = arith.cmpi ne, %convert_element_type3A_889, %cond3A_890 : i32
      scf.if %cond3A_891 {
        %add3A_1129 = arith.constant 4 : i32
        %add3A_1130 = arith.addi %add3A_864, %add3A_1129 : i32
        %sub3A_1131 = arith.constant 1 : i32
        %sub3A_1132 = arith.subi %add3A_1130, %sub3A_1131 : i32
        %mul3A_1133 = arith.constant 200 : i32
        %mul3A_1134 = arith.muli %sub3A_1132, %mul3A_1133 : i32
        %dma_start3A_1135 = arith.constant 0 : i32
        %dma_start3A_1136 = arith.constant 0 : i32
        %dma_start3A_1137 = tpu.memref_slice %arg7[%dma_start3A_1135, %dma_start3A_1136] : memref<200x128xf32, #tpu.memory_space<vmem>> -> memref<128x128xf32, #tpu.memory_space<vmem>>
        %dma_start3A_1138 = tpu.memref_slice %arg5[%mul3A_1134] : memref<25600xi32, #tpu.memory_space<vmem>> -> memref<128xi32, #tpu.memory_space<vmem>>
        %dma_start3A_1139 = arith.constant 0 : i32
        %dma_start3A_1140 = arith.constant 0 : i32
        %dma_start3A_1141 = tpu.memref_slice %arg3[%dma_start3A_1139, %dma_start3A_1140] : memref<1000000x128xf32, #tpu.memory_space<hbm>> -> memref<1000000x128xf32, #tpu.memory_space<hbm>>
        tpu.enqueue_indirect_dma source(%dma_start3A_1141 : memref<1000000x128xf32, #tpu.memory_space<hbm>>) target(%dma_start3A_1137 : memref<128x128xf32, #tpu.memory_space<vmem>>) offsets(%dma_start3A_1138 : memref<128xi32, #tpu.memory_space<vmem>>) semaphore(%arg12 : memref<!tpu.dma_semaphore, #tpu.memory_space<semaphore_mem>>)
        %add3A_1142 = arith.constant 128 : i32
        %add3A_1143 = arith.addi %mul3A_1134, %add3A_1142 : i32
        %dma_start3A_1144 = arith.constant 128 : i32
        %dma_start3A_1145 = arith.constant 0 : i32
        %dma_start3A_1146 = tpu.memref_slice %arg7[%dma_start3A_1144, %dma_start3A_1145] : memref<200x128xf32, #tpu.memory_space<vmem>> -> memref<72x128xf32, #tpu.memory_space<vmem>>
        %dma_start3A_1147 = tpu.memref_slice %arg5[%add3A_1143] : memref<25600xi32, #tpu.memory_space<vmem>> -> memref<72xi32, #tpu.memory_space<vmem>>
        %dma_start3A_1148 = arith.constant 0 : i32
        %dma_start3A_1149 = arith.constant 0 : i32
        %dma_start3A_1150 = tpu.memref_slice %arg3[%dma_start3A_1148, %dma_start3A_1149] : memref<1000000x128xf32, #tpu.memory_space<hbm>> -> memref<1000000x128xf32, #tpu.memory_space<hbm>>
        tpu.enqueue_indirect_dma source(%dma_start3A_1150 : memref<1000000x128xf32, #tpu.memory_space<hbm>>) target(%dma_start3A_1146 : memref<72x128xf32, #tpu.memory_space<vmem>>) offsets(%dma_start3A_1147 : memref<72xi32, #tpu.memory_space<vmem>>) semaphore(%arg12 : memref<!tpu.dma_semaphore, #tpu.memory_space<semaphore_mem>>)
      } else {
      }
      %broadcast_in_dim3A_892 = arith.constant 0.000000e+00 : f32
      %broadcast_in_dim3A_893 = vector.broadcast %broadcast_in_dim3A_892 : f32 to vector<16xf32>
      %broadcast_in_dim3A_894 = arith.constant 0.000000e+00 : f32
      %broadcast_in_dim3A_895 = vector.broadcast %broadcast_in_dim3A_894 : f32 to vector<16xf32>
      %broadcast_in_dim3A_896 = arith.constant 0.000000e+00 : f32
      %broadcast_in_dim3A_897 = vector.broadcast %broadcast_in_dim3A_896 : f32 to vector<16xf32>
      %broadcast_in_dim3A_898 = arith.constant 0.000000e+00 : f32
      %broadcast_in_dim3A_899 = vector.broadcast %broadcast_in_dim3A_898 : f32 to vector<16xf32>
      %broadcast_in_dim3A_900 = arith.constant 0.000000e+00 : f32
      %broadcast_in_dim3A_901 = vector.broadcast %broadcast_in_dim3A_900 : f32 to vector<16xf32>
      %broadcast_in_dim3A_902 = arith.constant 0.000000e+00 : f32
      %broadcast_in_dim3A_903 = vector.broadcast %broadcast_in_dim3A_902 : f32 to vector<16xf32>
      %broadcast_in_dim3A_904 = arith.constant 0.000000e+00 : f32
      %broadcast_in_dim3A_905 = vector.broadcast %broadcast_in_dim3A_904 : f32 to vector<16xf32>
      %broadcast_in_dim3A_906 = arith.constant 0.000000e+00 : f32
      %broadcast_in_dim3A_907 = vector.broadcast %broadcast_in_dim3A_906 : f32 to vector<16xf32>
      %scan3A_908 = arith.constant 0 : i32
      %scan3A_909 = arith.constant 200 : i32
      %scan3A_910 = arith.addi %scan3A_908, %scan3A_909 : i32
      %scan3A_911 = arith.constant 1 : i32
      %scan3A_912:8 = scf.for %scan3A_1129 = %scan3A_908 to %scan3A_910 step %scan3A_911 iter_args(%scan3A_1130 = %broadcast_in_dim3A_893, %scan3A_1131 = %broadcast_in_dim3A_895, %scan3A_1132 = %broadcast_in_dim3A_897, %scan3A_1133 = %broadcast_in_dim3A_899, %scan3A_1134 = %broadcast_in_dim3A_901, %scan3A_1135 = %broadcast_in_dim3A_903, %scan3A_1136 = %broadcast_in_dim3A_905, %scan3A_1137 = %broadcast_in_dim3A_907) -> (vector<16xf32>, vector<16xf32>, vector<16xf32>, vector<16xf32>, vector<16xf32>, vector<16xf32>, vector<16xf32>, vector<16xf32>)  : i32 {
        %get3A = arith.index_cast %scan3A_1129 : i32 to index
        %get3A_1138 = arith.constant 0 : index
        %get3A_1139 = tpu.vector_load %arg8[%get3A, %get3A_1138] {strides = array<i32>} : memref<200x128xf32, #tpu.memory_space<vmem>>, vector<16xf32>,
        %add3A_1140 = arith.addf %scan3A_1130, %get3A_1139 : vector<16xf32>
        %get3A_1141 = arith.index_cast %scan3A_1129 : i32 to index
        %get3A_1142 = arith.constant 16 : index
        %get3A_1143 = tpu.vector_load %arg8[%get3A_1141, %get3A_1142] {strides = array<i32>} : memref<200x128xf32, #tpu.memory_space<vmem>>, vector<16xf32>,
        %add3A_1144 = arith.addf %scan3A_1131, %get3A_1143 : vector<16xf32>
        %get3A_1145 = arith.index_cast %scan3A_1129 : i32 to index
        %get3A_1146 = arith.constant 32 : index
        %get3A_1147 = tpu.vector_load %arg8[%get3A_1145, %get3A_1146] {strides = array<i32>} : memref<200x128xf32, #tpu.memory_space<vmem>>, vector<16xf32>,
        %add3A_1148 = arith.addf %scan3A_1132, %get3A_1147 : vector<16xf32>
        %get3A_1149 = arith.index_cast %scan3A_1129 : i32 to index
        %get3A_1150 = arith.constant 48 : index
        %get3A_1151 = tpu.vector_load %arg8[%get3A_1149, %get3A_1150] {strides = array<i32>} : memref<200x128xf32, #tpu.memory_space<vmem>>, vector<16xf32>,
        %add3A_1152 = arith.addf %scan3A_1133, %get3A_1151 : vector<16xf32>
        %get3A_1153 = arith.index_cast %scan3A_1129 : i32 to index
        %get3A_1154 = arith.constant 64 : index
        %get3A_1155 = tpu.vector_load %arg8[%get3A_1153, %get3A_1154] {strides = array<i32>} : memref<200x128xf32, #tpu.memory_space<vmem>>, vector<16xf32>,
        %add3A_1156 = arith.addf %scan3A_1134, %get3A_1155 : vector<16xf32>
        %get3A_1157 = arith.index_cast %scan3A_1129 : i32 to index
        %get3A_1158 = arith.constant 80 : index
        %get3A_1159 = tpu.vector_load %arg8[%get3A_1157, %get3A_1158] {strides = array<i32>} : memref<200x128xf32, #tpu.memory_space<vmem>>, vector<16xf32>,
        %add3A_1160 = arith.addf %scan3A_1135, %get3A_1159 : vector<16xf32>
        %get3A_1161 = arith.index_cast %scan3A_1129 : i32 to index
        %get3A_1162 = arith.constant 96 : index
        %get3A_1163 = tpu.vector_load %arg8[%get3A_1161, %get3A_1162] {strides = array<i32>} : memref<200x128xf32, #tpu.memory_space<vmem>>, vector<16xf32>,
        %add3A_1164 = arith.addf %scan3A_1136, %get3A_1163 : vector<16xf32>
        %get3A_1165 = arith.index_cast %scan3A_1129 : i32 to index
        %get3A_1166 = arith.constant 112 : index
        %get3A_1167 = tpu.vector_load %arg8[%get3A_1165, %get3A_1166] {strides = array<i32>} : memref<200x128xf32, #tpu.memory_space<vmem>>, vector<16xf32>,
        %add3A_1168 = arith.addf %scan3A_1137, %get3A_1167 : vector<16xf32>
        scf.yield %add3A_1140, %add3A_1144, %add3A_1148, %add3A_1152, %add3A_1156, %add3A_1160, %add3A_1164, %add3A_1168 : vector<16xf32>, vector<16xf32>, vector<16xf32>, vector<16xf32>, vector<16xf32>, vector<16xf32>, vector<16xf32>, vector<16xf32>
      }
      %scan3A_913 = arith.constant 200 : i32
      %dma_wait3A_914 = arith.constant 2 : i32
      %dma_wait3A_915 = arith.constant 0 : i32
      %dma_wait3A_916 = arith.constant 0 : i32
      %dma_wait3A_917 = tpu.memref_slice %arg10[%dma_wait3A_914, %dma_wait3A_915, %dma_wait3A_916] : memref<4x1x128xf32, #tpu.memory_space<vmem>> -> memref<1x1x128xf32, #tpu.memory_space<vmem>>
      %dma_wait3A_918 = arith.constant 0 : i32
      %dma_wait3A_919 = arith.constant 0 : i32
      %dma_wait3A_920 = arith.constant 0 : i32
      %dma_wait3A_921 = tpu.memref_slice %arg4[%dma_wait3A_918, %dma_wait3A_919, %dma_wait3A_920] : memref<4096x1x128xf32, #tpu.memory_space<hbm>> -> memref<1x1x128xf32, #tpu.memory_space<hbm>>
      %dma_wait3A_922 = arith.constant 0 : i32
      %dma_wait3A_923 = arith.constant 0 : i32
      %dma_wait3A_924 = arith.constant 0 : i32
      %dma_wait3A_925 = tpu.memref_slice %arg4[%dma_wait3A_922, %dma_wait3A_923, %dma_wait3A_924] : memref<4096x1x128xf32, #tpu.memory_space<hbm>> -> memref<1x1x128xf32, #tpu.memory_space<hbm>>
      %dma_wait3A_926 = arith.constant 2 : i32
      %dma_wait3A_927 = arith.constant 0 : i32
      %dma_wait3A_928 = arith.constant 0 : i32
      %dma_wait3A_929 = tpu.memref_slice %arg10[%dma_wait3A_926, %dma_wait3A_927, %dma_wait3A_928] : memref<4x1x128xf32, #tpu.memory_space<vmem>> -> memref<1x1x128xf32, #tpu.memory_space<vmem>>
      tpu.wait_dma2 semaphore(%arg17 : memref<!tpu.dma_semaphore, #tpu.memory_space<semaphore_mem>>) src(%dma_wait3A_929 : memref<1x1x128xf32, #tpu.memory_space<vmem>>) dst(%dma_wait3A_925 : memref<1x1x128xf32, #tpu.memory_space<hbm>>)
      %swap3A_930 = arith.constant 2 : i32
      %swap3A_931 = arith.constant 0 : i32
      %swap3A_932 = arith.index_cast %swap3A_930 : i32 to index
      %swap3A_933 = arith.index_cast %swap3A_931 : i32 to index
      %swap3A_934 = arith.constant 0 : index
      %swap3A_935 = tpu.vector_load %arg10[%swap3A_932, %swap3A_933, %swap3A_934] {strides = array<i32>} : memref<4x1x128xf32, #tpu.memory_space<vmem>>, vector<16xf32>,
      tpu.vector_store %arg10[%swap3A_932, %swap3A_933, %swap3A_934], %scan3A_912#0 {strides = array<i32>} : memref<4x1x128xf32, #tpu.memory_space<vmem>>, vector<16xf32>,
      %swap3A_936 = arith.constant 2 : i32
      %swap3A_937 = arith.constant 0 : i32
      %swap3A_938 = arith.index_cast %swap3A_936 : i32 to index
      %swap3A_939 = arith.index_cast %swap3A_937 : i32 to index
      %swap3A_940 = arith.constant 16 : index
      %swap3A_941 = tpu.vector_load %arg10[%swap3A_938, %swap3A_939, %swap3A_940] {strides = array<i32>} : memref<4x1x128xf32, #tpu.memory_space<vmem>>, vector<16xf32>,
      tpu.vector_store %arg10[%swap3A_938, %swap3A_939, %swap3A_940], %scan3A_912#1 {strides = array<i32>} : memref<4x1x128xf32, #tpu.memory_space<vmem>>, vector<16xf32>,
      %swap3A_942 = arith.constant 2 : i32
      %swap3A_943 = arith.constant 0 : i32
      %swap3A_944 = arith.index_cast %swap3A_942 : i32 to index
      %swap3A_945 = arith.index_cast %swap3A_943 : i32 to index
      %swap3A_946 = arith.constant 32 : index
      %swap3A_947 = tpu.vector_load %arg10[%swap3A_944, %swap3A_945, %swap3A_946] {strides = array<i32>} : memref<4x1x128xf32, #tpu.memory_space<vmem>>, vector<16xf32>,
      tpu.vector_store %arg10[%swap3A_944, %swap3A_945, %swap3A_946], %scan3A_912#2 {strides = array<i32>} : memref<4x1x128xf32, #tpu.memory_space<vmem>>, vector<16xf32>,
      %swap3A_948 = arith.constant 2 : i32
      %swap3A_949 = arith.constant 0 : i32
      %swap3A_950 = arith.index_cast %swap3A_948 : i32 to index
      %swap3A_951 = arith.index_cast %swap3A_949 : i32 to index
      %swap3A_952 = arith.constant 48 : index
      %swap3A_953 = tpu.vector_load %arg10[%swap3A_950, %swap3A_951, %swap3A_952] {strides = array<i32>} : memref<4x1x128xf32, #tpu.memory_space<vmem>>, vector<16xf32>,
      tpu.vector_store %arg10[%swap3A_950, %swap3A_951, %swap3A_952], %scan3A_912#3 {strides = array<i32>} : memref<4x1x128xf32, #tpu.memory_space<vmem>>, vector<16xf32>,
      %swap3A_954 = arith.constant 2 : i32
      %swap3A_955 = arith.constant 0 : i32
      %swap3A_956 = arith.index_cast %swap3A_954 : i32 to index
      %swap3A_957 = arith.index_cast %swap3A_955 : i32 to index
      %swap3A_958 = arith.constant 64 : index
      %swap3A_959 = tpu.vector_load %arg10[%swap3A_956, %swap3A_957, %swap3A_958] {strides = array<i32>} : memref<4x1x128xf32, #tpu.memory_space<vmem>>, vector<16xf32>,
      tpu.vector_store %arg10[%swap3A_956, %swap3A_957, %swap3A_958], %scan3A_912#4 {strides = array<i32>} : memref<4x1x128xf32, #tpu.memory_space<vmem>>, vector<16xf32>,
      %swap3A_960 = arith.constant 2 : i32
      %swap3A_961 = arith.constant 0 : i32
      %swap3A_962 = arith.index_cast %swap3A_960 : i32 to index
      %swap3A_963 = arith.index_cast %swap3A_961 : i32 to index
      %swap3A_964 = arith.constant 80 : index
      %swap3A_965 = tpu.vector_load %arg10[%swap3A_962, %swap3A_963, %swap3A_964] {strides = array<i32>} : memref<4x1x128xf32, #tpu.memory_space<vmem>>, vector<16xf32>,
      tpu.vector_store %arg10[%swap3A_962, %swap3A_963, %swap3A_964], %scan3A_912#5 {strides = array<i32>} : memref<4x1x128xf32, #tpu.memory_space<vmem>>, vector<16xf32>,
      %swap3A_966 = arith.constant 2 : i32
      %swap3A_967 = arith.constant 0 : i32
      %swap3A_968 = arith.index_cast %swap3A_966 : i32 to index
      %swap3A_969 = arith.index_cast %swap3A_967 : i32 to index
      %swap3A_970 = arith.constant 96 : index
      %swap3A_971 = tpu.vector_load %arg10[%swap3A_968, %swap3A_969, %swap3A_970] {strides = array<i32>} : memref<4x1x128xf32, #tpu.memory_space<vmem>>, vector<16xf32>,
      tpu.vector_store %arg10[%swap3A_968, %swap3A_969, %swap3A_970], %scan3A_912#6 {strides = array<i32>} : memref<4x1x128xf32, #tpu.memory_space<vmem>>, vector<16xf32>,
      %swap3A_972 = arith.constant 2 : i32
      %swap3A_973 = arith.constant 0 : i32
      %swap3A_974 = arith.index_cast %swap3A_972 : i32 to index
      %swap3A_975 = arith.index_cast %swap3A_973 : i32 to index
      %swap3A_976 = arith.constant 112 : index
      %swap3A_977 = tpu.vector_load %arg10[%swap3A_974, %swap3A_975, %swap3A_976] {strides = array<i32>} : memref<4x1x128xf32, #tpu.memory_space<vmem>>, vector<16xf32>,
      tpu.vector_store %arg10[%swap3A_974, %swap3A_975, %swap3A_976], %scan3A_912#7 {strides = array<i32>} : memref<4x1x128xf32, #tpu.memory_space<vmem>>, vector<16xf32>,
      %mul3A_978 = arith.constant 128 : i32
      %mul3A_979 = arith.muli %add3A, %mul3A_978 : i32
      %add3A_980 = arith.addi %mul3A_979, %add3A_864 : i32
      %dma_start3A_981 = arith.constant 2 : i32
      %dma_start3A_982 = arith.constant 0 : i32
      %dma_start3A_983 = arith.constant 0 : i32
      %dma_start3A_984 = tpu.memref_slice %arg10[%dma_start3A_981, %dma_start3A_982, %dma_start3A_983] : memref<4x1x128xf32, #tpu.memory_space<vmem>> -> memref<1x1x128xf32, #tpu.memory_space<vmem>>
      %dma_start3A_985 = arith.constant 0 : i32
      %dma_start3A_986 = arith.constant 0 : i32
      %dma_start3A_987 = tpu.memref_slice %arg4[%add3A_980, %dma_start3A_985, %dma_start3A_986] : memref<4096x1x128xf32, #tpu.memory_space<hbm>> -> memref<1x1x128xf32, #tpu.memory_space<hbm>>
      %dma_start3A_988 = arith.constant 0 : i32
      %dma_start3A_989 = arith.constant 0 : i32
      %dma_start3A_990 = tpu.memref_slice %arg4[%add3A_980, %dma_start3A_988, %dma_start3A_989] : memref<4096x1x128xf32, #tpu.memory_space<hbm>> -> memref<1x1x128xf32, #tpu.memory_space<hbm>>
      %dma_start3A_991 = arith.constant 2 : i32
      %dma_start3A_992 = arith.constant 0 : i32
      %dma_start3A_993 = arith.constant 0 : i32
      %dma_start3A_994 = tpu.memref_slice %arg10[%dma_start3A_991, %dma_start3A_992, %dma_start3A_993] : memref<4x1x128xf32, #tpu.memory_space<vmem>> -> memref<1x1x128xf32, #tpu.memory_space<vmem>>
      tpu.enqueue_dma source(%dma_start3A_994 : memref<1x1x128xf32, #tpu.memory_space<vmem>>) target(%dma_start3A_990 : memref<1x1x128xf32, #tpu.memory_space<hbm>>) target_semaphore(%arg17 : memref<!tpu.dma_semaphore, #tpu.memory_space<semaphore_mem>>)
      %mul3A_995 = arith.constant 4 : i32
      %mul3A_996 = arith.muli %mul3A_995, %scan3A_596 : i32
      %add3A_997 = arith.constant 3 : i32
      %add3A_998 = arith.addi %mul3A_996, %add3A_997 : i32
      %mul3A_999 = arith.constant 200 : i32
      %mul3A_1000 = arith.muli %add3A_998, %mul3A_999 : i32
      %dma_wait3A_1001 = arith.constant 0 : i32
      %dma_wait3A_1002 = arith.constant 0 : i32
      %dma_wait3A_1003 = tpu.memref_slice %arg9[%dma_wait3A_1001, %dma_wait3A_1002] : memref<200x128xf32, #tpu.memory_space<vmem>> -> memref<128x128xf32, #tpu.memory_space<vmem>>
      %dma_wait3A_1004 = tpu.memref_slice %arg5[%mul3A_1000] : memref<25600xi32, #tpu.memory_space<vmem>> -> memref<128xi32, #tpu.memory_space<vmem>>
      %dma_wait3A_1005 = arith.constant 0 : i32
      %dma_wait3A_1006 = arith.constant 0 : i32
      %dma_wait3A_1007 = tpu.memref_slice %arg3[%dma_wait3A_1005, %dma_wait3A_1006] : memref<1000000x128xf32, #tpu.memory_space<hbm>> -> memref<1000000x128xf32, #tpu.memory_space<hbm>>
      tpu.wait_indirect_dma semaphore(%arg14 : memref<!tpu.dma_semaphore, #tpu.memory_space<semaphore_mem>>) src(%dma_wait3A_1007 : memref<1000000x128xf32, #tpu.memory_space<hbm>>) dst(%dma_wait3A_1003 : memref<128x128xf32, #tpu.memory_space<vmem>>)
      %add3A_1008 = arith.constant 128 : i32
      %add3A_1009 = arith.addi %mul3A_1000, %add3A_1008 : i32
      %dma_wait3A_1010 = arith.constant 128 : i32
      %dma_wait3A_1011 = arith.constant 0 : i32
      %dma_wait3A_1012 = tpu.memref_slice %arg9[%dma_wait3A_1010, %dma_wait3A_1011] : memref<200x128xf32, #tpu.memory_space<vmem>> -> memref<72x128xf32, #tpu.memory_space<vmem>>
      %dma_wait3A_1013 = tpu.memref_slice %arg5[%add3A_1009] : memref<25600xi32, #tpu.memory_space<vmem>> -> memref<72xi32, #tpu.memory_space<vmem>>
      %dma_wait3A_1014 = arith.constant 0 : i32
      %dma_wait3A_1015 = arith.constant 0 : i32
      %dma_wait3A_1016 = tpu.memref_slice %arg3[%dma_wait3A_1014, %dma_wait3A_1015] : memref<1000000x128xf32, #tpu.memory_space<hbm>> -> memref<1000000x128xf32, #tpu.memory_space<hbm>>
      tpu.wait_indirect_dma semaphore(%arg14 : memref<!tpu.dma_semaphore, #tpu.memory_space<semaphore_mem>>) src(%dma_wait3A_1016 : memref<1000000x128xf32, #tpu.memory_space<hbm>>) dst(%dma_wait3A_1012 : memref<72x128xf32, #tpu.memory_space<vmem>>)
      %add3A_1017 = arith.constant 4 : i32
      %add3A_1018 = arith.addi %add3A_998, %add3A_1017 : i32
      %sub3A_1019 = arith.constant 1 : i32
      %sub3A_1020 = arith.subi %add3A_1018, %sub3A_1019 : i32
      %lt3A_1021 = arith.constant 128 : i32
      %lt3A_1022 = arith.cmpi slt, %sub3A_1020, %lt3A_1021 : i32
      %convert_element_type3A_1023 = arith.extui %lt3A_1022 : i1 to i32
      %cond3A_1024 = arith.constant 0 : i32
      %cond3A_1025 = arith.cmpi ne, %convert_element_type3A_1023, %cond3A_1024 : i32
      scf.if %cond3A_1025 {
        %add3A_1129 = arith.constant 4 : i32
        %add3A_1130 = arith.addi %add3A_998, %add3A_1129 : i32
        %sub3A_1131 = arith.constant 1 : i32
        %sub3A_1132 = arith.subi %add3A_1130, %sub3A_1131 : i32
        %mul3A_1133 = arith.constant 200 : i32
        %mul3A_1134 = arith.muli %sub3A_1132, %mul3A_1133 : i32
        %dma_start3A_1135 = arith.constant 0 : i32
        %dma_start3A_1136 = arith.constant 0 : i32
        %dma_start3A_1137 = tpu.memref_slice %arg8[%dma_start3A_1135, %dma_start3A_1136] : memref<200x128xf32, #tpu.memory_space<vmem>> -> memref<128x128xf32, #tpu.memory_space<vmem>>
        %dma_start3A_1138 = tpu.memref_slice %arg5[%mul3A_1134] : memref<25600xi32, #tpu.memory_space<vmem>> -> memref<128xi32, #tpu.memory_space<vmem>>
        %dma_start3A_1139 = arith.constant 0 : i32
        %dma_start3A_1140 = arith.constant 0 : i32
        %dma_start3A_1141 = tpu.memref_slice %arg3[%dma_start3A_1139, %dma_start3A_1140] : memref<1000000x128xf32, #tpu.memory_space<hbm>> -> memref<1000000x128xf32, #tpu.memory_space<hbm>>
        tpu.enqueue_indirect_dma source(%dma_start3A_1141 : memref<1000000x128xf32, #tpu.memory_space<hbm>>) target(%dma_start3A_1137 : memref<128x128xf32, #tpu.memory_space<vmem>>) offsets(%dma_start3A_1138 : memref<128xi32, #tpu.memory_space<vmem>>) semaphore(%arg13 : memref<!tpu.dma_semaphore, #tpu.memory_space<semaphore_mem>>)
        %add3A_1142 = arith.constant 128 : i32
        %add3A_1143 = arith.addi %mul3A_1134, %add3A_1142 : i32
        %dma_start3A_1144 = arith.constant 128 : i32
        %dma_start3A_1145 = arith.constant 0 : i32
        %dma_start3A_1146 = tpu.memref_slice %arg8[%dma_start3A_1144, %dma_start3A_1145] : memref<200x128xf32, #tpu.memory_space<vmem>> -> memref<72x128xf32, #tpu.memory_space<vmem>>
        %dma_start3A_1147 = tpu.memref_slice %arg5[%add3A_1143] : memref<25600xi32, #tpu.memory_space<vmem>> -> memref<72xi32, #tpu.memory_space<vmem>>
        %dma_start3A_1148 = arith.constant 0 : i32
        %dma_start3A_1149 = arith.constant 0 : i32
        %dma_start3A_1150 = tpu.memref_slice %arg3[%dma_start3A_1148, %dma_start3A_1149] : memref<1000000x128xf32, #tpu.memory_space<hbm>> -> memref<1000000x128xf32, #tpu.memory_space<hbm>>
        tpu.enqueue_indirect_dma source(%dma_start3A_1150 : memref<1000000x128xf32, #tpu.memory_space<hbm>>) target(%dma_start3A_1146 : memref<72x128xf32, #tpu.memory_space<vmem>>) offsets(%dma_start3A_1147 : memref<72xi32, #tpu.memory_space<vmem>>) semaphore(%arg13 : memref<!tpu.dma_semaphore, #tpu.memory_space<semaphore_mem>>)
      } else {
      }
      %broadcast_in_dim3A_1026 = arith.constant 0.000000e+00 : f32
      %broadcast_in_dim3A_1027 = vector.broadcast %broadcast_in_dim3A_1026 : f32 to vector<16xf32>
      %broadcast_in_dim3A_1028 = arith.constant 0.000000e+00 : f32
      %broadcast_in_dim3A_1029 = vector.broadcast %broadcast_in_dim3A_1028 : f32 to vector<16xf32>
      %broadcast_in_dim3A_1030 = arith.constant 0.000000e+00 : f32
      %broadcast_in_dim3A_1031 = vector.broadcast %broadcast_in_dim3A_1030 : f32 to vector<16xf32>
      %broadcast_in_dim3A_1032 = arith.constant 0.000000e+00 : f32
      %broadcast_in_dim3A_1033 = vector.broadcast %broadcast_in_dim3A_1032 : f32 to vector<16xf32>
      %broadcast_in_dim3A_1034 = arith.constant 0.000000e+00 : f32
      %broadcast_in_dim3A_1035 = vector.broadcast %broadcast_in_dim3A_1034 : f32 to vector<16xf32>
      %broadcast_in_dim3A_1036 = arith.constant 0.000000e+00 : f32
      %broadcast_in_dim3A_1037 = vector.broadcast %broadcast_in_dim3A_1036 : f32 to vector<16xf32>
      %broadcast_in_dim3A_1038 = arith.constant 0.000000e+00 : f32
      %broadcast_in_dim3A_1039 = vector.broadcast %broadcast_in_dim3A_1038 : f32 to vector<16xf32>
      %broadcast_in_dim3A_1040 = arith.constant 0.000000e+00 : f32
      %broadcast_in_dim3A_1041 = vector.broadcast %broadcast_in_dim3A_1040 : f32 to vector<16xf32>
      %scan3A_1042 = arith.constant 0 : i32
      %scan3A_1043 = arith.constant 200 : i32
      %scan3A_1044 = arith.addi %scan3A_1042, %scan3A_1043 : i32
      %scan3A_1045 = arith.constant 1 : i32
      %scan3A_1046:8 = scf.for %scan3A_1129 = %scan3A_1042 to %scan3A_1044 step %scan3A_1045 iter_args(%scan3A_1130 = %broadcast_in_dim3A_1027, %scan3A_1131 = %broadcast_in_dim3A_1029, %scan3A_1132 = %broadcast_in_dim3A_1031, %scan3A_1133 = %broadcast_in_dim3A_1033, %scan3A_1134 = %broadcast_in_dim3A_1035, %scan3A_1135 = %broadcast_in_dim3A_1037, %scan3A_1136 = %broadcast_in_dim3A_1039, %scan3A_1137 = %broadcast_in_dim3A_1041) -> (vector<16xf32>, vector<16xf32>, vector<16xf32>, vector<16xf32>, vector<16xf32>, vector<16xf32>, vector<16xf32>, vector<16xf32>)  : i32 {
        %get3A = arith.index_cast %scan3A_1129 : i32 to index
        %get3A_1138 = arith.constant 0 : index
        %get3A_1139 = tpu.vector_load %arg9[%get3A, %get3A_1138] {strides = array<i32>} : memref<200x128xf32, #tpu.memory_space<vmem>>, vector<16xf32>,
        %add3A_1140 = arith.addf %scan3A_1130, %get3A_1139 : vector<16xf32>
        %get3A_1141 = arith.index_cast %scan3A_1129 : i32 to index
        %get3A_1142 = arith.constant 16 : index
        %get3A_1143 = tpu.vector_load %arg9[%get3A_1141, %get3A_1142] {strides = array<i32>} : memref<200x128xf32, #tpu.memory_space<vmem>>, vector<16xf32>,
        %add3A_1144 = arith.addf %scan3A_1131, %get3A_1143 : vector<16xf32>
        %get3A_1145 = arith.index_cast %scan3A_1129 : i32 to index
        %get3A_1146 = arith.constant 32 : index
        %get3A_1147 = tpu.vector_load %arg9[%get3A_1145, %get3A_1146] {strides = array<i32>} : memref<200x128xf32, #tpu.memory_space<vmem>>, vector<16xf32>,
        %add3A_1148 = arith.addf %scan3A_1132, %get3A_1147 : vector<16xf32>
        %get3A_1149 = arith.index_cast %scan3A_1129 : i32 to index
        %get3A_1150 = arith.constant 48 : index
        %get3A_1151 = tpu.vector_load %arg9[%get3A_1149, %get3A_1150] {strides = array<i32>} : memref<200x128xf32, #tpu.memory_space<vmem>>, vector<16xf32>,
        %add3A_1152 = arith.addf %scan3A_1133, %get3A_1151 : vector<16xf32>
        %get3A_1153 = arith.index_cast %scan3A_1129 : i32 to index
        %get3A_1154 = arith.constant 64 : index
        %get3A_1155 = tpu.vector_load %arg9[%get3A_1153, %get3A_1154] {strides = array<i32>} : memref<200x128xf32, #tpu.memory_space<vmem>>, vector<16xf32>,
        %add3A_1156 = arith.addf %scan3A_1134, %get3A_1155 : vector<16xf32>
        %get3A_1157 = arith.index_cast %scan3A_1129 : i32 to index
        %get3A_1158 = arith.constant 80 : index
        %get3A_1159 = tpu.vector_load %arg9[%get3A_1157, %get3A_1158] {strides = array<i32>} : memref<200x128xf32, #tpu.memory_space<vmem>>, vector<16xf32>,
        %add3A_1160 = arith.addf %scan3A_1135, %get3A_1159 : vector<16xf32>
        %get3A_1161 = arith.index_cast %scan3A_1129 : i32 to index
        %get3A_1162 = arith.constant 96 : index
        %get3A_1163 = tpu.vector_load %arg9[%get3A_1161, %get3A_1162] {strides = array<i32>} : memref<200x128xf32, #tpu.memory_space<vmem>>, vector<16xf32>,
        %add3A_1164 = arith.addf %scan3A_1136, %get3A_1163 : vector<16xf32>
        %get3A_1165 = arith.index_cast %scan3A_1129 : i32 to index
        %get3A_1166 = arith.constant 112 : index
        %get3A_1167 = tpu.vector_load %arg9[%get3A_1165, %get3A_1166] {strides = array<i32>} : memref<200x128xf32, #tpu.memory_space<vmem>>, vector<16xf32>,
        %add3A_1168 = arith.addf %scan3A_1137, %get3A_1167 : vector<16xf32>
        scf.yield %add3A_1140, %add3A_1144, %add3A_1148, %add3A_1152, %add3A_1156, %add3A_1160, %add3A_1164, %add3A_1168 : vector<16xf32>, vector<16xf32>, vector<16xf32>, vector<16xf32>, vector<16xf32>, vector<16xf32>, vector<16xf32>, vector<16xf32>
      }
      %scan3A_1047 = arith.constant 200 : i32
      %dma_wait3A_1048 = arith.constant 3 : i32
      %dma_wait3A_1049 = arith.constant 0 : i32
      %dma_wait3A_1050 = arith.constant 0 : i32
      %dma_wait3A_1051 = tpu.memref_slice %arg10[%dma_wait3A_1048, %dma_wait3A_1049, %dma_wait3A_1050] : memref<4x1x128xf32, #tpu.memory_space<vmem>> -> memref<1x1x128xf32, #tpu.memory_space<vmem>>
      %dma_wait3A_1052 = arith.constant 0 : i32
      %dma_wait3A_1053 = arith.constant 0 : i32
      %dma_wait3A_1054 = arith.constant 0 : i32
      %dma_wait3A_1055 = tpu.memref_slice %arg4[%dma_wait3A_1052, %dma_wait3A_1053, %dma_wait3A_1054] : memref<4096x1x128xf32, #tpu.memory_space<hbm>> -> memref<1x1x128xf32, #tpu.memory_space<hbm>>
      %dma_wait3A_1056 = arith.constant 0 : i32
      %dma_wait3A_1057 = arith.constant 0 : i32
      %dma_wait3A_1058 = arith.constant 0 : i32
      %dma_wait3A_1059 = tpu.memref_slice %arg4[%dma_wait3A_1056, %dma_wait3A_1057, %dma_wait3A_1058] : memref<4096x1x128xf32, #tpu.memory_space<hbm>> -> memref<1x1x128xf32, #tpu.memory_space<hbm>>
      %dma_wait3A_1060 = arith.constant 3 : i32
      %dma_wait3A_1061 = arith.constant 0 : i32
      %dma_wait3A_1062 = arith.constant 0 : i32
      %dma_wait3A_1063 = tpu.memref_slice %arg10[%dma_wait3A_1060, %dma_wait3A_1061, %dma_wait3A_1062] : memref<4x1x128xf32, #tpu.memory_space<vmem>> -> memref<1x1x128xf32, #tpu.memory_space<vmem>>
      tpu.wait_dma2 semaphore(%arg18 : memref<!tpu.dma_semaphore, #tpu.memory_space<semaphore_mem>>) src(%dma_wait3A_1063 : memref<1x1x128xf32, #tpu.memory_space<vmem>>) dst(%dma_wait3A_1059 : memref<1x1x128xf32, #tpu.memory_space<hbm>>)
      %swap3A_1064 = arith.constant 3 : i32
      %swap3A_1065 = arith.constant 0 : i32
      %swap3A_1066 = arith.index_cast %swap3A_1064 : i32 to index
      %swap3A_1067 = arith.index_cast %swap3A_1065 : i32 to index
      %swap3A_1068 = arith.constant 0 : index
      %swap3A_1069 = tpu.vector_load %arg10[%swap3A_1066, %swap3A_1067, %swap3A_1068] {strides = array<i32>} : memref<4x1x128xf32, #tpu.memory_space<vmem>>, vector<16xf32>,
      tpu.vector_store %arg10[%swap3A_1066, %swap3A_1067, %swap3A_1068], %scan3A_1046#0 {strides = array<i32>} : memref<4x1x128xf32, #tpu.memory_space<vmem>>, vector<16xf32>,
      %swap3A_1070 = arith.constant 3 : i32
      %swap3A_1071 = arith.constant 0 : i32
      %swap3A_1072 = arith.index_cast %swap3A_1070 : i32 to index
      %swap3A_1073 = arith.index_cast %swap3A_1071 : i32 to index
      %swap3A_1074 = arith.constant 16 : index
      %swap3A_1075 = tpu.vector_load %arg10[%swap3A_1072, %swap3A_1073, %swap3A_1074] {strides = array<i32>} : memref<4x1x128xf32, #tpu.memory_space<vmem>>, vector<16xf32>,
      tpu.vector_store %arg10[%swap3A_1072, %swap3A_1073, %swap3A_1074], %scan3A_1046#1 {strides = array<i32>} : memref<4x1x128xf32, #tpu.memory_space<vmem>>, vector<16xf32>,
      %swap3A_1076 = arith.constant 3 : i32
      %swap3A_1077 = arith.constant 0 : i32
      %swap3A_1078 = arith.index_cast %swap3A_1076 : i32 to index
      %swap3A_1079 = arith.index_cast %swap3A_1077 : i32 to index
      %swap3A_1080 = arith.constant 32 : index
      %swap3A_1081 = tpu.vector_load %arg10[%swap3A_1078, %swap3A_1079, %swap3A_1080] {strides = array<i32>} : memref<4x1x128xf32, #tpu.memory_space<vmem>>, vector<16xf32>,
      tpu.vector_store %arg10[%swap3A_1078, %swap3A_1079, %swap3A_1080], %scan3A_1046#2 {strides = array<i32>} : memref<4x1x128xf32, #tpu.memory_space<vmem>>, vector<16xf32>,
      %swap3A_1082 = arith.constant 3 : i32
      %swap3A_1083 = arith.constant 0 : i32
      %swap3A_1084 = arith.index_cast %swap3A_1082 : i32 to index
      %swap3A_1085 = arith.index_cast %swap3A_1083 : i32 to index
      %swap3A_1086 = arith.constant 48 : index
      %swap3A_1087 = tpu.vector_load %arg10[%swap3A_1084, %swap3A_1085, %swap3A_1086] {strides = array<i32>} : memref<4x1x128xf32, #tpu.memory_space<vmem>>, vector<16xf32>,
      tpu.vector_store %arg10[%swap3A_1084, %swap3A_1085, %swap3A_1086], %scan3A_1046#3 {strides = array<i32>} : memref<4x1x128xf32, #tpu.memory_space<vmem>>, vector<16xf32>,
      %swap3A_1088 = arith.constant 3 : i32
      %swap3A_1089 = arith.constant 0 : i32
      %swap3A_1090 = arith.index_cast %swap3A_1088 : i32 to index
      %swap3A_1091 = arith.index_cast %swap3A_1089 : i32 to index
      %swap3A_1092 = arith.constant 64 : index
      %swap3A_1093 = tpu.vector_load %arg10[%swap3A_1090, %swap3A_1091, %swap3A_1092] {strides = array<i32>} : memref<4x1x128xf32, #tpu.memory_space<vmem>>, vector<16xf32>,
      tpu.vector_store %arg10[%swap3A_1090, %swap3A_1091, %swap3A_1092], %scan3A_1046#4 {strides = array<i32>} : memref<4x1x128xf32, #tpu.memory_space<vmem>>, vector<16xf32>,
      %swap3A_1094 = arith.constant 3 : i32
      %swap3A_1095 = arith.constant 0 : i32
      %swap3A_1096 = arith.index_cast %swap3A_1094 : i32 to index
      %swap3A_1097 = arith.index_cast %swap3A_1095 : i32 to index
      %swap3A_1098 = arith.constant 80 : index
      %swap3A_1099 = tpu.vector_load %arg10[%swap3A_1096, %swap3A_1097, %swap3A_1098] {strides = array<i32>} : memref<4x1x128xf32, #tpu.memory_space<vmem>>, vector<16xf32>,
      tpu.vector_store %arg10[%swap3A_1096, %swap3A_1097, %swap3A_1098], %scan3A_1046#5 {strides = array<i32>} : memref<4x1x128xf32, #tpu.memory_space<vmem>>, vector<16xf32>,
      %swap3A_1100 = arith.constant 3 : i32
      %swap3A_1101 = arith.constant 0 : i32
      %swap3A_1102 = arith.index_cast %swap3A_1100 : i32 to index
      %swap3A_1103 = arith.index_cast %swap3A_1101 : i32 to index
      %swap3A_1104 = arith.constant 96 : index
      %swap3A_1105 = tpu.vector_load %arg10[%swap3A_1102, %swap3A_1103, %swap3A_1104] {strides = array<i32>} : memref<4x1x128xf32, #tpu.memory_space<vmem>>, vector<16xf32>,
      tpu.vector_store %arg10[%swap3A_1102, %swap3A_1103, %swap3A_1104], %scan3A_1046#6 {strides = array<i32>} : memref<4x1x128xf32, #tpu.memory_space<vmem>>, vector<16xf32>,
      %swap3A_1106 = arith.constant 3 : i32
      %swap3A_1107 = arith.constant 0 : i32
      %swap3A_1108 = arith.index_cast %swap3A_1106 : i32 to index
      %swap3A_1109 = arith.index_cast %swap3A_1107 : i32 to index
      %swap3A_1110 = arith.constant 112 : index
      %swap3A_1111 = tpu.vector_load %arg10[%swap3A_1108, %swap3A_1109, %swap3A_1110] {strides = array<i32>} : memref<4x1x128xf32, #tpu.memory_space<vmem>>, vector<16xf32>,
      tpu.vector_store %arg10[%swap3A_1108, %swap3A_1109, %swap3A_1110], %scan3A_1046#7 {strides = array<i32>} : memref<4x1x128xf32, #tpu.memory_space<vmem>>, vector<16xf32>,
      %mul3A_1112 = arith.constant 128 : i32
      %mul3A_1113 = arith.muli %add3A, %mul3A_1112 : i32
      %add3A_1114 = arith.addi %mul3A_1113, %add3A_998 : i32
      %dma_start3A_1115 = arith.constant 3 : i32
      %dma_start3A_1116 = arith.constant 0 : i32
      %dma_start3A_1117 = arith.constant 0 : i32
      %dma_start3A_1118 = tpu.memref_slice %arg10[%dma_start3A_1115, %dma_start3A_1116, %dma_start3A_1117] : memref<4x1x128xf32, #tpu.memory_space<vmem>> -> memref<1x1x128xf32, #tpu.memory_space<vmem>>
      %dma_start3A_1119 = arith.constant 0 : i32
      %dma_start3A_1120 = arith.constant 0 : i32
      %dma_start3A_1121 = tpu.memref_slice %arg4[%add3A_1114, %dma_start3A_1119, %dma_start3A_1120] : memref<4096x1x128xf32, #tpu.memory_space<hbm>> -> memref<1x1x128xf32, #tpu.memory_space<hbm>>
      %dma_start3A_1122 = arith.constant 0 : i32
      %dma_start3A_1123 = arith.constant 0 : i32
      %dma_start3A_1124 = tpu.memref_slice %arg4[%add3A_1114, %dma_start3A_1122, %dma_start3A_1123] : memref<4096x1x128xf32, #tpu.memory_space<hbm>> -> memref<1x1x128xf32, #tpu.memory_space<hbm>>
      %dma_start3A_1125 = arith.constant 3 : i32
      %dma_start3A_1126 = arith.constant 0 : i32
      %dma_start3A_1127 = arith.constant 0 : i32
      %dma_start3A_1128 = tpu.memref_slice %arg10[%dma_start3A_1125, %dma_start3A_1126, %dma_start3A_1127] : memref<4x1x128xf32, #tpu.memory_space<vmem>> -> memref<1x1x128xf32, #tpu.memory_space<vmem>>
      tpu.enqueue_dma source(%dma_start3A_1128 : memref<1x1x128xf32, #tpu.memory_space<vmem>>) target(%dma_start3A_1124 : memref<1x1x128xf32, #tpu.memory_space<hbm>>) target_semaphore(%arg18 : memref<!tpu.dma_semaphore, #tpu.memory_space<semaphore_mem>>)
    }
    %scan3A_531 = arith.constant 31 : i32
    %dma_wait3A_532 = arith.constant 0 : i32
    %dma_wait3A_533 = arith.constant 0 : i32
    %dma_wait3A_534 = arith.constant 0 : i32
    %dma_wait3A_535 = tpu.memref_slice %arg10[%dma_wait3A_532, %dma_wait3A_533, %dma_wait3A_534] : memref<4x1x128xf32, #tpu.memory_space<vmem>> -> memref<1x1x128xf32, #tpu.memory_space<vmem>>
    %dma_wait3A_536 = arith.constant 0 : i32
    %dma_wait3A_537 = arith.constant 0 : i32
    %dma_wait3A_538 = arith.constant 0 : i32
    %dma_wait3A_539 = tpu.memref_slice %arg4[%dma_wait3A_536, %dma_wait3A_537, %dma_wait3A_538] : memref<4096x1x128xf32, #tpu.memory_space<hbm>> -> memref<1x1x128xf32, #tpu.memory_space<hbm>>
    %dma_wait3A_540 = arith.constant 0 : i32
    %dma_wait3A_541 = arith.constant 0 : i32
    %dma_wait3A_542 = arith.constant 0 : i32
    %dma_wait3A_543 = tpu.memref_slice %arg4[%dma_wait3A_540, %dma_wait3A_541, %dma_wait3A_542] : memref<4096x1x128xf32, #tpu.memory_space<hbm>> -> memref<1x1x128xf32, #tpu.memory_space<hbm>>
    %dma_wait3A_544 = arith.constant 0 : i32
    %dma_wait3A_545 = arith.constant 0 : i32
    %dma_wait3A_546 = arith.constant 0 : i32
    %dma_wait3A_547 = tpu.memref_slice %arg10[%dma_wait3A_544, %dma_wait3A_545, %dma_wait3A_546] : memref<4x1x128xf32, #tpu.memory_space<vmem>> -> memref<1x1x128xf32, #tpu.memory_space<vmem>>
    tpu.wait_dma2 semaphore(%arg15 : memref<!tpu.dma_semaphore, #tpu.memory_space<semaphore_mem>>) src(%dma_wait3A_547 : memref<1x1x128xf32, #tpu.memory_space<vmem>>) dst(%dma_wait3A_543 : memref<1x1x128xf32, #tpu.memory_space<hbm>>)
    %dma_wait3A_548 = arith.constant 1 : i32
    %dma_wait3A_549 = arith.constant 0 : i32
    %dma_wait3A_550 = arith.constant 0 : i32
    %dma_wait3A_551 = tpu.memref_slice %arg10[%dma_wait3A_548, %dma_wait3A_549, %dma_wait3A_550] : memref<4x1x128xf32, #tpu.memory_space<vmem>> -> memref<1x1x128xf32, #tpu.memory_space<vmem>>
    %dma_wait3A_552 = arith.constant 0 : i32
    %dma_wait3A_553 = arith.constant 0 : i32
    %dma_wait3A_554 = arith.constant 0 : i32
    %dma_wait3A_555 = tpu.memref_slice %arg4[%dma_wait3A_552, %dma_wait3A_553, %dma_wait3A_554] : memref<4096x1x128xf32, #tpu.memory_space<hbm>> -> memref<1x1x128xf32, #tpu.memory_space<hbm>>
    %dma_wait3A_556 = arith.constant 0 : i32
    %dma_wait3A_557 = arith.constant 0 : i32
    %dma_wait3A_558 = arith.constant 0 : i32
    %dma_wait3A_559 = tpu.memref_slice %arg4[%dma_wait3A_556, %dma_wait3A_557, %dma_wait3A_558] : memref<4096x1x128xf32, #tpu.memory_space<hbm>> -> memref<1x1x128xf32, #tpu.memory_space<hbm>>
    %dma_wait3A_560 = arith.constant 1 : i32
    %dma_wait3A_561 = arith.constant 0 : i32
    %dma_wait3A_562 = arith.constant 0 : i32
    %dma_wait3A_563 = tpu.memref_slice %arg10[%dma_wait3A_560, %dma_wait3A_561, %dma_wait3A_562] : memref<4x1x128xf32, #tpu.memory_space<vmem>> -> memref<1x1x128xf32, #tpu.memory_space<vmem>>
    tpu.wait_dma2 semaphore(%arg16 : memref<!tpu.dma_semaphore, #tpu.memory_space<semaphore_mem>>) src(%dma_wait3A_563 : memref<1x1x128xf32, #tpu.memory_space<vmem>>) dst(%dma_wait3A_559 : memref<1x1x128xf32, #tpu.memory_space<hbm>>)
    %dma_wait3A_564 = arith.constant 2 : i32
    %dma_wait3A_565 = arith.constant 0 : i32
    %dma_wait3A_566 = arith.constant 0 : i32
    %dma_wait3A_567 = tpu.memref_slice %arg10[%dma_wait3A_564, %dma_wait3A_565, %dma_wait3A_566] : memref<4x1x128xf32, #tpu.memory_space<vmem>> -> memref<1x1x128xf32, #tpu.memory_space<vmem>>
    %dma_wait3A_568 = arith.constant 0 : i32
    %dma_wait3A_569 = arith.constant 0 : i32
    %dma_wait3A_570 = arith.constant 0 : i32
    %dma_wait3A_571 = tpu.memref_slice %arg4[%dma_wait3A_568, %dma_wait3A_569, %dma_wait3A_570] : memref<4096x1x128xf32, #tpu.memory_space<hbm>> -> memref<1x1x128xf32, #tpu.memory_space<hbm>>
    %dma_wait3A_572 = arith.constant 0 : i32
    %dma_wait3A_573 = arith.constant 0 : i32
    %dma_wait3A_574 = arith.constant 0 : i32
    %dma_wait3A_575 = tpu.memref_slice %arg4[%dma_wait3A_572, %dma_wait3A_573, %dma_wait3A_574] : memref<4096x1x128xf32, #tpu.memory_space<hbm>> -> memref<1x1x128xf32, #tpu.memory_space<hbm>>
    %dma_wait3A_576 = arith.constant 2 : i32
    %dma_wait3A_577 = arith.constant 0 : i32
    %dma_wait3A_578 = arith.constant 0 : i32
    %dma_wait3A_579 = tpu.memref_slice %arg10[%dma_wait3A_576, %dma_wait3A_577, %dma_wait3A_578] : memref<4x1x128xf32, #tpu.memory_space<vmem>> -> memref<1x1x128xf32, #tpu.memory_space<vmem>>
    tpu.wait_dma2 semaphore(%arg17 : memref<!tpu.dma_semaphore, #tpu.memory_space<semaphore_mem>>) src(%dma_wait3A_579 : memref<1x1x128xf32, #tpu.memory_space<vmem>>) dst(%dma_wait3A_575 : memref<1x1x128xf32, #tpu.memory_space<hbm>>)
    %dma_wait3A_580 = arith.constant 3 : i32
    %dma_wait3A_581 = arith.constant 0 : i32
    %dma_wait3A_582 = arith.constant 0 : i32
    %dma_wait3A_583 = tpu.memref_slice %arg10[%dma_wait3A_580, %dma_wait3A_581, %dma_wait3A_582] : memref<4x1x128xf32, #tpu.memory_space<vmem>> -> memref<1x1x128xf32, #tpu.memory_space<vmem>>
    %dma_wait3A_584 = arith.constant 0 : i32
    %dma_wait3A_585 = arith.constant 0 : i32
    %dma_wait3A_586 = arith.constant 0 : i32
    %dma_wait3A_587 = tpu.memref_slice %arg4[%dma_wait3A_584, %dma_wait3A_585, %dma_wait3A_586] : memref<4096x1x128xf32, #tpu.memory_space<hbm>> -> memref<1x1x128xf32, #tpu.memory_space<hbm>>
    %dma_wait3A_588 = arith.constant 0 : i32
    %dma_wait3A_589 = arith.constant 0 : i32
    %dma_wait3A_590 = arith.constant 0 : i32
    %dma_wait3A_591 = tpu.memref_slice %arg4[%dma_wait3A_588, %dma_wait3A_589, %dma_wait3A_590] : memref<4096x1x128xf32, #tpu.memory_space<hbm>> -> memref<1x1x128xf32, #tpu.memory_space<hbm>>
    %dma_wait3A_592 = arith.constant 3 : i32
    %dma_wait3A_593 = arith.constant 0 : i32
    %dma_wait3A_594 = arith.constant 0 : i32
    %dma_wait3A_595 = tpu.memref_slice %arg10[%dma_wait3A_592, %dma_wait3A_593, %dma_wait3A_594] : memref<4x1x128xf32, #tpu.memory_space<vmem>> -> memref<1x1x128xf32, #tpu.memory_space<vmem>>
    tpu.wait_dma2 semaphore(%arg18 : memref<!tpu.dma_semaphore, #tpu.memory_space<semaphore_mem>>) src(%dma_wait3A_595 : memref<1x1x128xf32, #tpu.memory_space<vmem>>) dst(%dma_wait3A_591 : memref<1x1x128xf32, #tpu.memory_space<hbm>>)
    return
  }
}

module attributes {stable_mosaic.version = 14 : i64} {
  func.func @_tc_linear_body(%arg0: i32, %arg1: memref<512x128xf32, #tpu.memory_space<vmem>>, %arg2: memref<128x2xf32, #tpu.memory_space<vmem>>, %arg3: memref<1x2xf32, #tpu.memory_space<vmem>>, %arg4: memref<512x2xf32, #tpu.memory_space<vmem>>) attributes {dimension_semantics = [#tpu.dimension_semantics<arbitrary>], iteration_bounds = array<i64: 8>, scalar_prefetch = 0 : i64, scratch_operands = 0 : i64, tpu.core_type = #tpu.core_type<tc>, window_params = [{transform_indices = @transform_0, window_bounds = array<i64: 512, 128>}, {pipeline_mode = #tpu.pipeline_mode<synchronous>, transform_indices = @transform_1, window_bounds = array<i64: 128, 2>}, {pipeline_mode = #tpu.pipeline_mode<synchronous>, transform_indices = @transform_2, window_bounds = array<i64: 1, 2>}, {transform_indices = @transform_3, window_bounds = array<i64: 512, 2>}]} {
    %get3A = arith.constant 0 : index
    %get3A_0 = arith.constant 0 : index
    %get3A_1 = vector.load %arg1[%get3A, %get3A_0] : memref<512x128xf32, #tpu.memory_space<vmem>>, vector<512x128xf32>
    %get3A_2 = arith.constant 0 : index
    %get3A_3 = arith.constant 0 : index
    %get3A_4 = vector.load %arg2[%get3A_2, %get3A_3] : memref<128x2xf32, #tpu.memory_space<vmem>>, vector<128x2xf32>
    %dot_general3A = arith.constant dense<0.000000e+00> : vector<512x2xf32>
    %dot_general3A_5 = tpu.matmul %get3A_1, %get3A_4, %dot_general3A {dimension_numbers = #tpu.dot_dimension_numbers<[1], [0], [0], [1], [0, 0, 1, 1], [], []>, transpose_lhs_hint = false} : vector<512x128xf32>, vector<128x2xf32>, vector<512x2xf32> -> vector<512x2xf32>
    %mul3A = arith.constant 5.000000e-03 : f32
    %mul3A_6 = vector.broadcast %mul3A : f32 to vector<512x2xf32>
    %mul3A_7 = arith.mulf %dot_general3A_5, %mul3A_6 : vector<512x2xf32>
    %get3A_8 = arith.constant 0 : index
    %get3A_9 = arith.constant 0 : index
    %get3A_10 = vector.load %arg3[%get3A_8, %get3A_9] : memref<1x2xf32, #tpu.memory_space<vmem>>, vector<1x2xf32>
    %add3A = vector.broadcast %get3A_10 : vector<1x2xf32> to vector<512x2xf32>
    %add3A_11 = arith.addf %mul3A_7, %add3A : vector<512x2xf32>
    %swap3A = arith.constant 0 : index
    %swap3A_12 = arith.constant 0 : index
    %swap3A_13 = vector.load %arg4[%swap3A, %swap3A_12] : memref<512x2xf32, #tpu.memory_space<vmem>>, vector<512x2xf32>
    tpu.vector_store %arg4[%swap3A, %swap3A_12], %add3A_11 {strides = array<i32>} : memref<512x2xf32, #tpu.memory_space<vmem>>, vector<512x2xf32>,
    return
  }
  func.func @transform_0(%arg0: i32) -> (i32, i32) {
    %c0_i32 = arith.constant 0 : i32
    %c0_i32_0 = arith.constant 0 : i32
    return %arg0, %c0_i32 : i32, i32
  }
  func.func @transform_1(%arg0: i32) -> (i32, i32) {
    %c0_i32 = arith.constant 0 : i32
    %c0_i32_0 = arith.constant 0 : i32
    %c0_i32_1 = arith.constant 0 : i32
    return %c0_i32, %c0_i32_0 : i32, i32
  }
  func.func @transform_2(%arg0: i32) -> (i32, i32) {
    %c0_i32 = arith.constant 0 : i32
    %c0_i32_0 = arith.constant 0 : i32
    %c0_i32_1 = arith.constant 0 : i32
    return %c0_i32, %c0_i32_0 : i32, i32
  }
  func.func @transform_3(%arg0: i32) -> (i32, i32) {
    %c0_i32 = arith.constant 0 : i32
    %c0_i32_0 = arith.constant 0 : i32
    return %arg0, %c0_i32 : i32, i32
  }
}

</mosaic_0001>

<sc_bundles>
// kernel: kernel.4.cloned.1.call-start
scs
__scs_entry_jumppad:
0x0: {  	(pc) =	sbr.rel $0x88, $3  }
0x1: {  	(tag) =	ssettag $0x0;
	lr =	simm.s32 $0x1  }
0x2: {  	[smem:$0x3F9D] =	sst lr;
	_ =	strace $0xD0000000  }
0x3: {  	_ = 	snop  }
0x4: {  	_ = 	snop  }
0x5: {  	_ = 	snop  }
0x6: {  	_ = 	snop  }
0x7: {  	_ = 	snop  }
__scs_overlays_trampoline_lowered:
0x8: {  	[smem:$0x3FAC] =	sst s0  }
0x9: {  	[smem:$0x3FAD] =	sst s1  }
0xa: {  	[smem:$0x3FAE] =	sst s2  }
0xb: {  	[smem:$0x3FAF] =	sst s3  }
0xc: {  	[smem:$0x3FB0] =	sst s4  }
0xd: {  	[smem:$0x3FB1] =	sst s5  }
0xe: {  	[smem:$0x3FB2] =	sst s6  }
0xf: {  	[smem:$0x3FB3] =	sst s7  }
0x10: {  	[smem:$0x3FB4] =	sst s8  }
0x11: {  	[smem:$0x3FB5] =	sst s9;
	s0 =	simm.s32 @!p0 $0x0  }
0x12: {  	s1 =	sld [smem:$0x3F9B];
	s0 =	simm.s32 @p0 $0x1  }
0x13: {  	[smem:$0x3FB6] =	sst s0;
	s0 =	simm.s32 @!p1 $0x0  }
0x14: {  	s2 =	sld [smem:$0x3F9A];
	s0 =	simm.s32 @p1 $0x1  }
0x15: {  	[smem:$0x3FB7] =	sst s0;
	s0 =	simm.s32 @!p2 $0x0  }
0x16: {  	s3 =	sld [smem:$0x3FDB];
	s0 =	simm.s32 @p2 $0x1  }
0x17: {  	s4 =	simm.s32 $0x1BF5;
	[smem:$0x3FB9] =	sst s0  }
0x18: {  	s0 =	sld [smem:$0x3F9C];
	_ =	swait.ge [sflag:s4], $0x0  }
0x19: {  	s7 =	sld [smem:$0x3F9D]  }
0x1a: {  	s8 =	sadd.s32 $0xFFFFE003, lr  }
0x1b: {  	s9 =	sadd.s32 $0xFFFFFEF7, lr;
	s5 =	simm.s32 $0xFFFFFFFF;
	p2 =	slt.u32 s8, $0xFFFFF086  }
0x1c: {  	p1 =	slt.u32 s9, $0xF7A;
	s5 =	simm.s32 @!p2 $0x0  }
0x1d: {  	s5 =	simm.s32 @p1 $0x1;
	p0 =	seq.s32 s7, s2  }
0x1e: {  	s7 =	smul.u32 @!p0 $0xF7A, s2;
	p2 =	seq.s32 @!p0 s5, $0x0  }
0x1f: {  	s9 =	smul.u32 $0xF7A, s1;
	s8 =	simm.s32 @!p0 $0x1BF5;
	p2 =	por !p2, p0  }
0x20: {  	[sflag:s8] =	ssyncset.s32 @!p0 $0xFFFFF086;
	s6 =	sadd.s32 @!p0 s3, s7;
	s7 =	simm.s32 @!p0 $0x108  }
0x21: {  	s3 =	sadd.s32 s3, s9;
	s6 =	sadd.s32 @!p0 $0x88, s6;
	s7 =	simm.s32 @p2 $0x1082  }
0x22: {  	[simem:s7], [sflag:s8] =	dma.local @!p0 [hbm:s6], $0xF7A  }
0x23: {  	s9 =	sor.u32 $0xD0000000, s2;
	s6 =	simm.s32 $0x108;
	_ =	swait.ge @!p0 [sflag:s8], $0x0  }
0x24: {  	s3 =	sadd.s32 $0x88, s3;
	s6 =	simm.s32 @!p1 $0x1082;
	[sflag:s4] =	ssyncset.s32 $0xFFFFF086  }
0x25: {  	[simem:s6], [sflag:s4] =	dma.local [hbm:s3], $0xF7A  }
0x26: {  	[smem:$0x3F9D] =	sst s1;
	(tag) =	ssettag s2;
	_ =	strace s9  }
0x27: {  	s1 =	sld [smem:$0x3FAD]  }
0x28: {  	s2 =	sld [smem:$0x3FAE]  }
0x29: {  	s4 =	sld [smem:$0x3FB0]  }
0x2a: {  	p0 =	seq.s32 s5, $0x0;
	s5 =	sld [smem:$0x3FB1]  }
0x2b: {  	s6 =	sld [smem:$0x3FB2]  }
0x2c: {  	s7 =	sld [smem:$0x3FB3]  }
0x2d: {  	s3 =	simm.s32 $0x108;
	s8 =	sld [smem:$0x3FB4]  }
0x2e: {  	s3 =	simm.s32 @!p0 $0x1082;
	s9 =	sld [smem:$0x3FB5]  }
0x2f: {  	lr =	sadd.s32 s0, s3;
	s0 =	sld [smem:$0x3FAC]  }
0x30: {  	s3 =	sld [smem:$0x3FAF]  }
0x31: {  	[smem:$0x3FB8] =	sst s10  }
0x32: {  	s10 =	sld [smem:$0x3FB6];
	_ =	sdelay $0x3  }
0x33: {  	p0 =	seq.s32 s10, $0x1;
	s10 =	sld [smem:$0x3FB8];
	_ =	sdelay $0x3  }
0x34: {  	[smem:$0x3FB8] =	sst s10  }
0x35: {  	s10 =	sld [smem:$0x3FB7];
	_ =	sdelay $0x3  }
0x36: {  	p1 =	seq.s32 s10, $0x1;
	s10 =	sld [smem:$0x3FB8];
	_ =	sdelay $0x3  }
0x37: {  	[smem:$0x3FB8] =	sst s10  }
0x38: {  	s10 =	sld [smem:$0x3FB9]  }
0x39: {  	_ = 	snop;
	(pc) =	sbr.ind lr, $3  }
0x3a: {  	_ = 	snop  }
0x3b: {  	_ = 	snop  }
0x3c: {  	p2 =	seq.s32 s10, $0x1;
	s10 =	sld [smem:$0x3FB8]  }
0x3d: {  	_ =	shalt  }
0x3e: {  	_ =	shalt  }
0x3f: {  	_ =	shalt  }
0x40: {  	_ =	shalt  }
0x41: {  	_ =	shalt  }
0x42: {  	_ =	shalt  }
0x43: {  	_ =	shalt  }
0x44: {  	_ =	shalt  }
0x45: {  	_ =	shalt  }
0x46: {  	_ =	shalt  }
0x47: {  	_ =	shalt  }
0x48: {  	_ =	shalt  }
0x49: {  	_ =	shalt  }
0x4a: {  	_ =	shalt  }
0x4b: {  	_ =	shalt  }
0x4c: {  	_ =	shalt  }
0x4d: {  	_ =	shalt  }
0x4e: {  	_ =	shalt  }
0x4f: {  	_ =	shalt  }
0x50: {  	_ =	shalt  }
0x51: {  	_ =	shalt  }
0x52: {  	_ =	shalt  }
0x53: {  	_ =	shalt  }
0x54: {  	_ =	shalt  }
0x55: {  	_ =	shalt  }
0x56: {  	_ =	shalt  }
0x57: {  	_ =	shalt  }
0x58: {  	_ =	shalt  }
0x59: {  	_ =	shalt  }
0x5a: {  	_ =	shalt  }
0x5b: {  	_ =	shalt  }
0x5c: {  	_ =	shalt  }
0x5d: {  	_ =	shalt  }
0x5e: {  	_ =	shalt  }
0x5f: {  	_ =	shalt  }
0x60: {  	_ =	shalt  }
0x61: {  	_ =	shalt  }
0x62: {  	_ =	shalt  }
0x63: {  	_ =	shalt  }
0x64: {  	_ =	shalt  }
0x65: {  	_ =	shalt  }
0x66: {  	_ =	shalt  }
0x67: {  	_ =	shalt  }
0x68: {  	_ =	shalt  }
0x69: {  	_ =	shalt  }
0x6a: {  	_ =	shalt  }
0x6b: {  	_ =	shalt  }
0x6c: {  	_ =	shalt  }
0x6d: {  	_ =	shalt  }
0x6e: {  	_ =	shalt  }
0x6f: {  	_ =	shalt  }
0x70: {  	_ =	shalt  }
0x71: {  	_ =	shalt  }
0x72: {  	_ =	shalt  }
0x73: {  	_ =	shalt  }
0x74: {  	_ =	shalt  }
0x75: {  	_ =	shalt  }
0x76: {  	_ =	shalt  }
0x77: {  	_ =	shalt  }
0x78: {  	_ =	shalt  }
0x79: {  	_ =	shalt  }
0x7a: {  	_ =	shalt  }
0x7b: {  	_ =	shalt  }
0x7c: {  	_ =	shalt  }
0x7d: {  	_ =	shalt  }
0x7e: {  	_ =	shalt  }
0x7f: {  	_ =	shalt  }
0x80: {  	_ =	shalt  }
0x81: {  	_ =	shalt  }
0x82: {  	_ =	shalt  }
0x83: {  	_ =	shalt  }
0x84: {  	_ =	shalt  }
0x85: {  	_ =	shalt  }
0x86: {  	_ =	shalt  }
0x87: {  	_ =	shalt  }
.Lfunc_end0:
.L_simem_size_0:
called_computation_lowered:
.L_overlay_start_0:
0x88: {  	s2 =	sld [smem:$0x3FD9]  }
0x89: {  	s3 =	sld [smem:$0x3FFE];
	_ =	sdelay $0x1  }
0x8a: {  	s1 =	srdreg.scid  }
0x8b: {  	s0 =	sand.u32 $0x1, s1  }
0x8c: {  	s17 =	sshll.u32 s0, $0xA;
	s2 =	sadd.s32 s3, s2  }
0x8d: {  	s2 =	sadd.s32 s2, s17  }
0x8e: {  	[smem:$0x3FC4] =	sst s2  }
0x8f: {  	_ = 	snop  }
0x90: {  	s2 =	sld [smem:$0x3FC8];
	(tm) =	ssettm $0x1  }
0x91: {  	s18 =	sld [smem:$0x3FFB];
	_ =	sdelay $0x3  }
0x92: {  	_ =	strace s18  }
0x93: {  	s3 =	sld [smem:$0x3FFC];
	_ =	sdelay $0x3  }
0x94: {  	_ =	strace s3  }
0x95: {  	s3 =	sld [smem:$0x3FFD];
	_ =	sdelay $0x3  }
0x96: {  	_ =	strace s3  }
0x97: {  	_ =	strace $0x8FFFFFFF  }
0x98: {  	s19 =	sld [smem:$0x3FDB];
	_ =	sdelay $0x1  }
0x99: {  	s4 =	simm.s32 $_scs_section_size  }
0x9a: {  	s5 =	simm.s32 $_size__tile_overlayer_lowered;
	s6 =	simm.s32 $_tile_overlayer_lowered  }
0x9b: {  	s22 =	simm.s32 $0x1BFF;
	s21 =	sshll.u32 s6, $0x1;
	s3 =	sadd.s32 s4, s19  }
0x9c: {  	s7 =	simm.s32 $0x0;
	s20 =	sshll.u32 s5, $0x1;
	s5 =	sadd.s32 s21, s3  }
0x9d: {  	[timem:s7], [sflag:s22] =	dma.local [hbm:s5], s20  }
0x9e: {  	_ =	swait.ge [sflag:s22], s20  }
0x9f: {  	s4 =	ssub.s32 $0x0, s20;
	[sflag:s22] =	ssyncset.done $0x0  }
0xa0: {  	[sflag:s22] =	ssyncadd.s32 s4;
	_ =	sdelay $0x1  }
0xa1: {  	s23 =	simm.s32 $0x1B8B  }
0xa2: {  	_ =	swait.ge [sflag:s23], $0x1  }
0xa3: {  	[sflag:s23] =	ssyncset.done $0x0  }
0xa4: {  	s25 =	simm.s32 $0x1B8E;
	s24 =	sld [smem:$0x3FFE];
	[sflag:s23] =	ssyncadd.s32 $0xFFFFFFFF  }
0xa5: {  	s26 =	simm.s32 $execute0_lowered;
	[smem:$0x3FD2] =	sst s25  }
0xa6: {  	s5 =	sshll.u32 s26, $0x1;
	_ =	strace $0x80000046;
	[dreg:$0x1] =	wrdreg $0xFFFFFFFF  }
0xa7: {  	s28 =	simm.s32 $_size_execute0_lowered;
	s3 =	sadd.s32 s3, s5;
	[dreg:$0x0] =	wrdreg $0x0  }
0xa8: {  	s5 =	sshll.u32 s28, $0x1;
	[dreg:$0x2] =	wrdreg s3  }
0xa9: {  	[dreg:$0x3] =	wrdreg s5  }
0xaa: {  	[dreg:$0x4] =	wrdreg $0xC0  }
0xab: {  	_ =	task [dreg:s7], $0x5FFFF  }
0xac: {  	[dreg:$0x1] =	wrdreg $0xFFFFFFFF  }
0xad: {  	[dreg:$0x0] =	wrdreg $0x60  }
0xae: {  	[dreg:$0x2] =	wrdreg s24  }
0xaf: {  	[dreg:$0x3] =	wrdreg s2  }
0xb0: {  	[dreg:$0x4] =	wrdreg $0x9  }
0xb1: {  	_ =	task.clear_ibuf [dreg:s7], $0x5FFFF;
	_ =	strace $0x90000046  }
0xb2: {  	s29 =	simm.s32 $0x9;
	_ =	strace $0x80000048  }
0xb3: {  	_ =	swait.ge [sflag:s29], $0x1  }
0xb4: {  	[sflag:s29] =	ssyncadd.s32 $0xFFFFFFFF  }
0xb5: {  	_ =	strace $0x90000048  }
0xb6: {  	_ =	sfence  }
0xb7: {  	s30 =	sld [smem:$0x0];
	_ =	sdelay $0x2  }
0xb8: {  	s31 =	sshll.u32 s1, $0xD;
	s1 =	sshrl.u32 s1, $0x2  }
0xb9: {  	s3 =	sand.u32 $0x4000, s31;
	s1 =	sadd.s32 s1, s30  }
0xba: {  	s0 =	sor.u32 s3, s0;
	s1 =	sshll.u32 s1, $0x11  }
0xbb: {  	s0 =	sor.u32 s1, s0  }
0xbc: {  	s0 =	sadd.s32 $0x8F2B, s0  }
0xbd: {  	[sflag:s0] =	ssyncadd.remote.s32 $0x1  }
0xbe: {  	_ =	sfence.sel $0xFFFF  }
0xbf: {  	[dreg:$0x0] =	wrdreg $0xFFFFFFFF;
	(pc) =	sbr.abs _section_cstart, $3  }
0xc0: {  	[dreg:$0x1] =	wrdreg $0xFFFFFFFF  }
0xc1: {  	_ =	task.clear_ibuf [dreg:s7], $0x2FFFF;
	_ =	strace $0x9FFFFFFF  }
0xc2: {  	(tm) =	ssettm $0x7FFFFFFF  }
0xc3: {  	_ =	shalt  }
tec
execute0_lowered:
.L_overlay_start_1:
0x0: {  	(tag) =	ssettag $0x1  }
0x1: {  	s0 =	rddreg [dreg:$0x0]  }
0x2: {  	s2 =	rddreg [dreg:$0x1];
	s1 =	srdreg.scid  }
0x3: {  	s4 =	stileid.u32;
	s3 =	simm.s32 $0x0;
	s12 =	simm.s32 $0x9  }
0x4: {  	s13 =	simm.s32 $0x80;
	s10 =	simm.s32 $0x6400;
	s15 =	simm.s32 $0x48  }
0x5: {  	s11 =	simm.s32 $0xA400;
	s20 =	simm.s32 $0xC800;
	s22 =	simm.s32 $0x10800  }
0x6: {  	s28 =	simm.s32 $0x19000;
	s30 =	simm.s32 $0x1D000;
	s31 =	simm.s32 $0x1F400  }
0x7: {  	s19 =	simm.s32 $0x1F480;
	s21 =	simm.s32 $0x3;
	s29 =	simm.s32 $0x1F500  }
0x8: {  	s17 =	simm.s32 $0x5;
	s1 =	sand.u32 $0x1, s1;
	s4 =	sshll.u32 s4, $0x1  }
0x9: {  	s14 =	simm.s32 $0x7;
	s6 =	sor.u32 s1, s4;
	s1 =	ssub.s32 $0x2, s1  }
0xa: {  	[smem:$0x7FF] =	sst s3;
	s5 =	smul.u32 $0xC80, s6;
	s7 =	sshrl.u32 s1, $0x1  }
0xb: {  	_ =	strace $0x80000047;
	s4 =	sadd.s32 $0x19A00, s0;
	s1 =	ssub.s32 s1, s7  }
0xc: {  	s8 =	sshll.u32 s6, $0xB;
	s0 =	sadd.s32 s5, s0;
	s26 =	smax.u32 s1, $0x1  }
0xd: {  	s5 =	sadd.s32 s4, s8;
	s0 =	sadd.s32 $0xA00, s0;
	[dreg:$0x7] =	wrdreg s26  }
0xe: {  	s16 =	simm.s32 $0x8;
	s23 =	sadd.s32 $0x10, s5;
	[dreg:$0x3] =	wrdreg s0  }
0xf: {  	s18 =	simm.s32 $0x0;
	s24 =	sadd.s32 $0x20, s5;
	[dreg:$0x4] =	wrdreg s23  }
0x10: {  	s7 =	sshll.u32 s6, $0x7;
	s25 =	sadd.s32 $0x30, s5;
	[dreg:$0x5] =	wrdreg s24  }
0x11: {  	s1 =	simm.s32 $0x4;
	s26 =	simm.s32 $0x1F580;
	[dreg:$0x6] =	wrdreg s25  }
0x12: {  	s25 =	simm.s32 $0x1;
	s0 =	simm.s32 $0x2;
	s23 =	simm.s32 $0x6  }
.LBB2_1:
0x13: {  	s6 =	rddreg [dreg:$0x3]  }
0x14: {  	[tilespmem:s3], [sflag:$0x9] =	stream.linear.gather [hbm4b:s6+s3], $0x6400, $0x38;
	[tilespmem:$0x1F600] =	vst v63  }
0x15: {  	_ =	swait.ge [sflag:s12], $0x6400  }
0x16: {  	[sflag:s12] =	ssyncset.done $0x0  }
0x17: {  	[sflag:s12] =	ssyncadd.s32 $0xFFFF9C00  }
0x18: {  	[tilespmem:s10], [sflag:$0x1] =	stream.indirect.gather [hbm4b:s2+s13], $0x80, s3, s13, $0xb8;
	[tilespmem:$0x1F600] =	vst v63  }
0x19: {  	_ = 	snop  }
0x1a: {  	[tilespmem:s11], [sflag:$0x1] =	stream.indirect.gather [hbm4b:s2+s15], $0x80, s13, s15, $0xb8;
	[tilespmem:$0x1F600] =	vst v63  }
0x1b: {  	s8 =	simm.s32 $0xC8  }
0x1c: {  	[tilespmem:s20], [sflag:$0x2] =	stream.indirect.gather [hbm4b:s2+s13], $0x80, s8, s13, $0xb8;
	[tilespmem:$0x1F600] =	vst v63  }
0x1d: {  	s9 =	simm.s32 $0x148  }
0x1e: {  	[tilespmem:s22], [sflag:$0x2] =	stream.indirect.gather [hbm4b:s2+s15], $0x80, s9, s15, $0xb8;
	[tilespmem:$0x1F600] =	vst v63  }
0x1f: {  	s24 =	simm.s32 $0x190;
	s8 =	simm.s32 $0x12C00  }
0x20: {  	[tilespmem:s8], [sflag:$0x3] =	stream.indirect.gather [hbm4b:s2+s13], $0x80, s24, s13, $0xb8;
	[tilespmem:$0x1F600] =	vst v63  }
0x21: {  	s9 =	simm.s32 $0x210;
	s24 =	simm.s32 $0x16C00  }
0x22: {  	[tilespmem:s24], [sflag:$0x3] =	stream.indirect.gather [hbm4b:s2+s15], $0x80, s9, s15, $0xb8;
	[tilespmem:$0x1F600] =	vst v63  }
0x23: {  	_ =	swait.ge [sflag:s25], $0x4000  }
0x24: {  	[sflag:s25] =	ssyncset.done $0x0  }
0x25: {  	[sflag:s25] =	ssyncadd.s32 $0xFFFFC000  }
0x26: {  	_ =	swait.ge [sflag:s25], $0x2400  }
0x27: {  	[sflag:s25] =	ssyncset.done $0x0  }
0x28: {  	s9 =	simm.s32 $0x258;
	[sflag:s25] =	ssyncadd.s32 $0xFFFFDC00  }
0x29: {  	[tilespmem:s28], [sflag:$0x4] =	stream.indirect.gather [hbm4b:s2+s13], $0x80, s9, s13, $0xb8;
	[tilespmem:$0x1F600] =	vst v63  }
0x2a: {  	s24 =	simm.s32 $0x2D8;
	s9 =	simm.s32 $0x0  }
0x2b: {  	[tilespmem:s30], [sflag:$0x4] =	stream.indirect.gather [hbm4b:s2+s15], $0x80, s24, s15, $0xb8;
	[tilespmem:$0x1F600] =	vst v63  }
0x2c: {  	v0 =	vld [tilespmem:s9+$0x6470]  }
0x2d: {  	v2 =	vld [tilespmem:s9+$0x6400]  }
0x2e: {  	v3 =	vld [tilespmem:s9+$0x6410]  }
0x2f: {  	v11 =	vld [tilespmem:s9+$0x6420]  }
0x30: {  	v10 =	vld [tilespmem:s9+$0x6430]  }
0x31: {  	v1 =	vimm.f32 $0.0e+00;
	v6 =	vimm.f32 $0.0e+00;
	v7 =	vld [tilespmem:s9+$0x6440]  }
0x32: {  	v8 =	vimm.f32 $0.0e+00;
	v4 =	vimm.f32 $0.0e+00;
	v9 =	vld [tilespmem:s9+$0x6450];
	v0 =	vadd.f32 v0, v1  }
0x33: {  	s6 =	simm.s32 $0x80;
	s8 =	simm.s32 $0x400;
	v12 =	vld [tilespmem:s9+$0x6460];
	v5 =	vadd.f32 v2, v1;
	v3 =	vadd.f32 v3, v1;
	v2 =	vimm.f32 $0.0e+00  }
.LBB2_2:
0x34: {  	p0 =	sne.s32 s8, $0x18E00;
	v13 =	vld [tilespmem:s6+$0x6470];
	v1 =	vadd.f32 v11, v1  }
0x35: {  	v14 =	vld [tilespmem:s6+$0x6400];
	v6 =	vadd.f32 v10, v6  }
0x36: {  	v15 =	vld [tilespmem:s6+$0x6410];
	v8 =	vadd.f32 v7, v8  }
.Ltmp0:
0x37: {  	v11 =	vld [tilespmem:s6+$0x6420];
	v4 =	vadd.f32 v9, v4;
	(pc) =	sbr.rel @p0 .LBB2_2-.Ltmp0, $4  }
0x38: {  	v10 =	vld [tilespmem:s6+$0x6430];
	v2 =	vadd.f32 v12, v2  }
0x39: {  	v7 =	vld [tilespmem:s6+$0x6440];
	v0 =	vadd.f32 v13, v0  }
0x3a: {  	v5 =	vadd.f32 v14, v5;
	v9 =	vld [tilespmem:s6+$0x6450]  }
0x3b: {  	v3 =	vadd.f32 v15, v3;
	v12 =	vld [tilespmem:s6+$0x6460];
	s6 =	sshra.s32 s8, $0x2;
	s8 =	sadd.s32 $0x200, s8  }
0x3c: {  	v14 =	vld [tilespmem:s6+$0x6400]  }
0x3d: {  	v15 =	vld [tilespmem:s6+$0x6410]  }
0x3e: {  	v16 =	vld [tilespmem:s6+$0x6420]  }
0x3f: {  	v13 =	vld [tilespmem:s6+$0x6470]  }
0x40: {  	v6 =	vadd.f32 v10, v6;
	v10 =	vld [tilespmem:s6+$0x6460]  }
0x41: {  	v17 =	vld [tilespmem:s6+$0x6430];
	v1 =	vadd.f32 v11, v1;
	v5 =	vadd.f32 v14, v5  }
0x42: {  	v18 =	vld [tilespmem:s6+$0x6440];
	v3 =	vadd.f32 v15, v3  }
0x43: {  	v11 =	vld [tilespmem:s6+$0x6450];
	v2 =	vadd.f32 v12, v2;
	v1 =	vadd.f32 v16, v1;
	[tilespmem:$0x1F400] =	vst v5  }
0x44: {  	v0 =	vadd.f32 v13, v0;
	[tilespmem:$0x1F410] =	vst v3  }
0x45: {  	v7 =	vadd.f32 v7, v8;
	v2 =	vadd.f32 v10, v2;
	[tilespmem:$0x1F420] =	vst v1  }
0x46: {  	v4 =	vadd.f32 v9, v4;
	v5 =	vadd.f32 v17, v6;
	[tilespmem:$0x1F470] =	vst v0  }
0x47: {  	v3 =	vadd.f32 v18, v7;
	[tilespmem:$0x1F460] =	vst v2  }
0x48: {  	v1 =	vadd.f32 v11, v4;
	[tilespmem:$0x1F430] =	vst v5  }
0x49: {  	[tilespmem:$0x1F440] =	vst v3  }
0x4a: {  	s8 =	simm.s32 $0x0;
	[tilespmem:$0x1F450] =	vst v1  }
0x4b: {  	[hbm4b:s5+s8] =	stream.linear.scatter [tilespmem:s31], [sflag:$0x5], $0x80, $0x38;
	[tilespmem:$0x1F600] =	vst v63  }
0x4c: {  	_ =	swait.ge [sflag:s0], $0x4000  }
0x4d: {  	[sflag:s0] =	ssyncset.done $0x0  }
0x4e: {  	[sflag:s0] =	ssyncadd.s32 $0xFFFFC000  }
0x4f: {  	_ =	swait.ge [sflag:s0], $0x2400  }
0x50: {  	[sflag:s0] =	ssyncset.done $0x0  }
0x51: {  	s9 =	simm.s32 $0x320;
	[sflag:s0] =	ssyncadd.s32 $0xFFFFDC00  }
0x52: {  	[tilespmem:s10], [sflag:$0x1] =	stream.indirect.gather [hbm4b:s2+s13], $0x80, s9, s13, $0xb8;
	[tilespmem:$0x1F600] =	vst v63  }
0x53: {  	s24 =	simm.s32 $0x3A0;
	s9 =	simm.s32 $0x0  }
0x54: {  	[tilespmem:s11], [sflag:$0x1] =	stream.indirect.gather [hbm4b:s2+s15], $0x80, s24, s15, $0xb8;
	[tilespmem:$0x1F600] =	vst v63  }
0x55: {  	v0 =	vld [tilespmem:s9+$0xC870]  }
0x56: {  	v2 =	vld [tilespmem:s9+$0xC800]  }
0x57: {  	v3 =	vld [tilespmem:s9+$0xC810]  }
0x58: {  	v11 =	vld [tilespmem:s9+$0xC820]  }
0x59: {  	v10 =	vld [tilespmem:s9+$0xC830]  }
0x5a: {  	v8 =	vimm.f32 $0.0e+00;
	v1 =	vimm.f32 $0.0e+00;
	v7 =	vld [tilespmem:s9+$0xC840]  }
0x5b: {  	v6 =	vimm.f32 $0.0e+00;
	v4 =	vimm.f32 $0.0e+00;
	v9 =	vld [tilespmem:s9+$0xC850];
	v0 =	vadd.f32 v0, v1  }
0x5c: {  	s6 =	simm.s32 $0x80;
	s8 =	simm.s32 $0x400;
	v12 =	vld [tilespmem:s9+$0xC860];
	v5 =	vadd.f32 v2, v1;
	v3 =	vadd.f32 v3, v1;
	v2 =	vimm.f32 $0.0e+00  }
.LBB2_4:
0x5d: {  	p0 =	sne.s32 s8, $0x18E00;
	v13 =	vld [tilespmem:s6+$0xC870];
	v1 =	vadd.f32 v11, v1  }
0x5e: {  	v14 =	vld [tilespmem:s6+$0xC800];
	v6 =	vadd.f32 v10, v6  }
0x5f: {  	v15 =	vld [tilespmem:s6+$0xC810];
	v8 =	vadd.f32 v7, v8  }
.Ltmp1:
0x60: {  	v11 =	vld [tilespmem:s6+$0xC820];
	v4 =	vadd.f32 v9, v4;
	(pc) =	sbr.rel @p0 .LBB2_4-.Ltmp1, $4  }
0x61: {  	v10 =	vld [tilespmem:s6+$0xC830];
	v2 =	vadd.f32 v12, v2  }
0x62: {  	v7 =	vld [tilespmem:s6+$0xC840];
	v0 =	vadd.f32 v13, v0  }
0x63: {  	v5 =	vadd.f32 v14, v5;
	v9 =	vld [tilespmem:s6+$0xC850]  }
0x64: {  	v3 =	vadd.f32 v15, v3;
	v12 =	vld [tilespmem:s6+$0xC860];
	s6 =	sshra.s32 s8, $0x2;
	s8 =	sadd.s32 $0x200, s8  }
0x65: {  	v14 =	vld [tilespmem:s6+$0xC800]  }
0x66: {  	v15 =	vld [tilespmem:s6+$0xC810]  }
0x67: {  	v16 =	vld [tilespmem:s6+$0xC820]  }
0x68: {  	v13 =	vld [tilespmem:s6+$0xC870]  }
0x69: {  	v6 =	vadd.f32 v10, v6;
	v10 =	vld [tilespmem:s6+$0xC860]  }
0x6a: {  	v17 =	vld [tilespmem:s6+$0xC830];
	v1 =	vadd.f32 v11, v1;
	v5 =	vadd.f32 v14, v5  }
0x6b: {  	v18 =	vld [tilespmem:s6+$0xC840];
	v3 =	vadd.f32 v15, v3  }
0x6c: {  	v11 =	vld [tilespmem:s6+$0xC850];
	v2 =	vadd.f32 v12, v2;
	v1 =	vadd.f32 v16, v1;
	[tilespmem:$0x1F480] =	vst v5  }
0x6d: {  	v0 =	vadd.f32 v13, v0;
	[tilespmem:$0x1F490] =	vst v3  }
0x6e: {  	v7 =	vadd.f32 v7, v8;
	v2 =	vadd.f32 v10, v2;
	[tilespmem:$0x1F4A0] =	vst v1  }
0x6f: {  	v4 =	vadd.f32 v9, v4;
	v5 =	vadd.f32 v17, v6;
	[tilespmem:$0x1F4F0] =	vst v0  }
0x70: {  	v3 =	vadd.f32 v18, v7;
	[tilespmem:$0x1F4E0] =	vst v2  }
0x71: {  	v1 =	vadd.f32 v11, v4;
	[tilespmem:$0x1F4B0] =	vst v5  }
0x72: {  	[tilespmem:$0x1F4C0] =	vst v3  }
0x73: {  	s10 =	simm.s32 $0x0;
	s8 =	rddreg [dreg:$0x4];
	[tilespmem:$0x1F4D0] =	vst v1  }
0x74: {  	[hbm4b:s8+s10] =	stream.linear.scatter [tilespmem:s19], [sflag:$0x6], $0x80, $0x38;
	[tilespmem:$0x1F600] =	vst v63  }
0x75: {  	_ =	swait.ge [sflag:s21], $0x4000  }
0x76: {  	[sflag:s21] =	ssyncset.done $0x0  }
0x77: {  	[sflag:s21] =	ssyncadd.s32 $0xFFFFC000  }
0x78: {  	_ =	swait.ge [sflag:s21], $0x2400  }
0x79: {  	[sflag:s21] =	ssyncset.done $0x0  }
0x7a: {  	s11 =	simm.s32 $0x3E8;
	[sflag:s21] =	ssyncadd.s32 $0xFFFFDC00  }
0x7b: {  	[tilespmem:s20], [sflag:$0x2] =	stream.indirect.gather [hbm4b:s2+s13], $0x80, s11, s13, $0xb8;
	[tilespmem:$0x1F600] =	vst v63  }
0x7c: {  	s24 =	simm.s32 $0x468;
	s9 =	simm.s32 $0x0  }
0x7d: {  	[tilespmem:s22], [sflag:$0x2] =	stream.indirect.gather [hbm4b:s2+s15], $0x80, s24, s15, $0xb8;
	[tilespmem:$0x1F600] =	vst v63  }
0x7e: {  	v0 =	vld [tilespmem:s9+$0x12C70]  }
0x7f: {  	v2 =	vld [tilespmem:s9+$0x12C00]  }
0x80: {  	v3 =	vld [tilespmem:s9+$0x12C10]  }
0x81: {  	v11 =	vld [tilespmem:s9+$0x12C20]  }
0x82: {  	v10 =	vld [tilespmem:s9+$0x12C30]  }
0x83: {  	v8 =	vimm.f32 $0.0e+00;
	v1 =	vimm.f32 $0.0e+00;
	v7 =	vld [tilespmem:s9+$0x12C40]  }
0x84: {  	v6 =	vimm.f32 $0.0e+00;
	v4 =	vimm.f32 $0.0e+00;
	v9 =	vld [tilespmem:s9+$0x12C50];
	v0 =	vadd.f32 v0, v1  }
0x85: {  	s6 =	simm.s32 $0x80;
	s8 =	simm.s32 $0x400;
	v12 =	vld [tilespmem:s9+$0x12C60];
	v5 =	vadd.f32 v2, v1;
	v3 =	vadd.f32 v3, v1;
	v2 =	vimm.f32 $0.0e+00  }
.LBB2_6:
0x86: {  	p0 =	sne.s32 s8, $0x18E00;
	v13 =	vld [tilespmem:s6+$0x12C70];
	v1 =	vadd.f32 v11, v1  }
0x87: {  	v14 =	vld [tilespmem:s6+$0x12C00];
	v6 =	vadd.f32 v10, v6  }
0x88: {  	v15 =	vld [tilespmem:s6+$0x12C10];
	v8 =	vadd.f32 v7, v8  }
.Ltmp2:
0x89: {  	v11 =	vld [tilespmem:s6+$0x12C20];
	v4 =	vadd.f32 v9, v4;
	(pc) =	sbr.rel @p0 .LBB2_6-.Ltmp2, $4  }
0x8a: {  	v10 =	vld [tilespmem:s6+$0x12C30];
	v2 =	vadd.f32 v12, v2  }
0x8b: {  	v7 =	vld [tilespmem:s6+$0x12C40];
	v0 =	vadd.f32 v13, v0  }
0x8c: {  	v5 =	vadd.f32 v14, v5;
	v9 =	vld [tilespmem:s6+$0x12C50]  }
0x8d: {  	v3 =	vadd.f32 v15, v3;
	v12 =	vld [tilespmem:s6+$0x12C60];
	s6 =	sshra.s32 s8, $0x2;
	s8 =	sadd.s32 $0x200, s8  }
0x8e: {  	v14 =	vld [tilespmem:s6+$0x12C00]  }
0x8f: {  	v15 =	vld [tilespmem:s6+$0x12C10]  }
0x90: {  	v16 =	vld [tilespmem:s6+$0x12C20]  }
0x91: {  	v13 =	vld [tilespmem:s6+$0x12C70]  }
0x92: {  	v6 =	vadd.f32 v10, v6;
	v10 =	vld [tilespmem:s6+$0x12C60]  }
0x93: {  	v17 =	vld [tilespmem:s6+$0x12C30];
	v1 =	vadd.f32 v11, v1;
	v5 =	vadd.f32 v14, v5  }
0x94: {  	v18 =	vld [tilespmem:s6+$0x12C40];
	v3 =	vadd.f32 v15, v3  }
0x95: {  	v11 =	vld [tilespmem:s6+$0x12C50];
	v2 =	vadd.f32 v12, v2;
	v1 =	vadd.f32 v16, v1;
	[tilespmem:$0x1F500] =	vst v5  }
0x96: {  	v0 =	vadd.f32 v13, v0;
	[tilespmem:$0x1F510] =	vst v3  }
0x97: {  	v7 =	vadd.f32 v7, v8;
	v2 =	vadd.f32 v10, v2;
	[tilespmem:$0x1F520] =	vst v1  }
0x98: {  	v4 =	vadd.f32 v9, v4;
	v5 =	vadd.f32 v17, v6;
	[tilespmem:$0x1F570] =	vst v0  }
0x99: {  	v3 =	vadd.f32 v18, v7;
	[tilespmem:$0x1F560] =	vst v2  }
0x9a: {  	v1 =	vadd.f32 v11, v4;
	[tilespmem:$0x1F530] =	vst v5  }
0x9b: {  	[tilespmem:$0x1F540] =	vst v3  }
0x9c: {  	s10 =	simm.s32 $0x0;
	s8 =	rddreg [dreg:$0x5];
	[tilespmem:$0x1F550] =	vst v1  }
0x9d: {  	[hbm4b:s8+s10] =	stream.linear.scatter [tilespmem:s29], [sflag:$0x7], $0x80, $0x38;
	[tilespmem:$0x1F600] =	vst v63  }
0x9e: {  	_ =	swait.ge [sflag:s1], $0x4000  }
0x9f: {  	[sflag:s1] =	ssyncset.done $0x0  }
0xa0: {  	[sflag:s1] =	ssyncadd.s32 $0xFFFFC000  }
0xa1: {  	_ =	swait.ge [sflag:s1], $0x2400  }
0xa2: {  	[sflag:s1] =	ssyncset.done $0x0  }
0xa3: {  	s11 =	simm.s32 $0x12C00;
	s20 =	simm.s32 $0x4B0;
	[sflag:s1] =	ssyncadd.s32 $0xFFFFDC00  }
0xa4: {  	[tilespmem:s11], [sflag:$0x3] =	stream.indirect.gather [hbm4b:s2+s13], $0x80, s20, s13, $0xb8;
	[tilespmem:$0x1F600] =	vst v63  }
0xa5: {  	s22 =	simm.s32 $0x16C00;
	s24 =	simm.s32 $0x530;
	s9 =	simm.s32 $0x0  }
0xa6: {  	[tilespmem:s22], [sflag:$0x3] =	stream.indirect.gather [hbm4b:s2+s15], $0x80, s24, s15, $0xb8;
	[tilespmem:$0x1F600] =	vst v63  }
0xa7: {  	v0 =	vld [tilespmem:s9+$0x19070]  }
0xa8: {  	v2 =	vld [tilespmem:s9+$0x19000]  }
0xa9: {  	v3 =	vld [tilespmem:s9+$0x19010]  }
0xaa: {  	v11 =	vld [tilespmem:s9+$0x19020]  }
0xab: {  	v10 =	vld [tilespmem:s9+$0x19030]  }
0xac: {  	v8 =	vimm.f32 $0.0e+00;
	v1 =	vimm.f32 $0.0e+00;
	v7 =	vld [tilespmem:s9+$0x19040]  }
0xad: {  	v6 =	vimm.f32 $0.0e+00;
	v4 =	vimm.f32 $0.0e+00;
	v9 =	vld [tilespmem:s9+$0x19050];
	v0 =	vadd.f32 v0, v1  }
0xae: {  	s6 =	simm.s32 $0x80;
	s8 =	simm.s32 $0x400;
	v12 =	vld [tilespmem:s9+$0x19060];
	v5 =	vadd.f32 v2, v1;
	v3 =	vadd.f32 v3, v1;
	v2 =	vimm.f32 $0.0e+00  }
.LBB2_8:
0xaf: {  	p0 =	sne.s32 s8, $0x18E00;
	v13 =	vld [tilespmem:s6+$0x19070];
	v1 =	vadd.f32 v11, v1  }
0xb0: {  	v14 =	vld [tilespmem:s6+$0x19000];
	v6 =	vadd.f32 v10, v6  }
0xb1: {  	v15 =	vld [tilespmem:s6+$0x19010];
	v8 =	vadd.f32 v7, v8  }
.Ltmp3:
0xb2: {  	v11 =	vld [tilespmem:s6+$0x19020];
	v4 =	vadd.f32 v9, v4;
	(pc) =	sbr.rel @p0 .LBB2_8-.Ltmp3, $4  }
0xb3: {  	v10 =	vld [tilespmem:s6+$0x19030];
	v2 =	vadd.f32 v12, v2  }
0xb4: {  	v7 =	vld [tilespmem:s6+$0x19040];
	v0 =	vadd.f32 v13, v0  }
0xb5: {  	v5 =	vadd.f32 v14, v5;
	v9 =	vld [tilespmem:s6+$0x19050]  }
0xb6: {  	v3 =	vadd.f32 v15, v3;
	v12 =	vld [tilespmem:s6+$0x19060];
	s6 =	sshra.s32 s8, $0x2;
	s8 =	sadd.s32 $0x200, s8  }
0xb7: {  	v14 =	vld [tilespmem:s6+$0x19000]  }
0xb8: {  	v15 =	vld [tilespmem:s6+$0x19010]  }
0xb9: {  	v16 =	vld [tilespmem:s6+$0x19020]  }
0xba: {  	v17 =	vld [tilespmem:s6+$0x19030]  }
0xbb: {  	v18 =	vld [tilespmem:s6+$0x19040]  }
0xbc: {  	v1 =	vadd.f32 v11, v1;
	v59 =	vld [tilespmem:s6+$0x19050];
	v5 =	vadd.f32 v14, v5  }
0xbd: {  	v13 =	vld [tilespmem:s6+$0x19070];
	v6 =	vadd.f32 v10, v6;
	v3 =	vadd.f32 v15, v3  }
0xbe: {  	v60 =	vld [tilespmem:s6+$0x19060];
	v7 =	vadd.f32 v7, v8;
	v1 =	vadd.f32 v16, v1;
	[tilespmem:$0x1F580] =	vst v5  }
0xbf: {  	v4 =	vadd.f32 v9, v4;
	v61 =	vadd.f32 v17, v6;
	[tilespmem:$0x1F590] =	vst v3  }
0xc0: {  	v62 =	vadd.f32 v18, v7;
	[tilespmem:$0x1F5A0] =	vst v1  }
0xc1: {  	v2 =	vadd.f32 v12, v2;
	v63 =	vadd.f32 v59, v4;
	[tilespmem:$0x1F5B0] =	vst v61  }
0xc2: {  	v0 =	vadd.f32 v13, v0;
	[tilespmem:$0x1F5C0] =	vst v62  }
0xc3: {  	v2 =	vadd.f32 v60, v2;
	[tilespmem:$0x1F5D0] =	vst v63  }
0xc4: {  	[tilespmem:$0x1F5F0] =	vst v0  }
0xc5: {  	s24 =	rddreg [dreg:$0x6];
	s6 =	simm.s32 $0x1;
	[tilespmem:$0x1F5E0] =	vst v2  }
0xc6: {  	[hbm4b:s24+s3] =	stream.linear.scatter [tilespmem:s26], [sflag:$0x8], $0x80, $0x38;
	[tilespmem:$0x1F600] =	vst v63  }
.LBB2_10:
0xc7: {  	_ =	swait.ge [sflag:s25], $0x4000  }
0xc8: {  	[sflag:s25] =	ssyncset.done $0x0  }
0xc9: {  	s20 =	sshllo.u32 s6, $0x2;
	[sflag:s25] =	ssyncadd.s32 $0xFFFFC000  }
0xca: {  	s8 =	smul.u32 $0x320, s20;
	_ =	swait.ge [sflag:s25], $0x2400  }
0xcb: {  	[sflag:s25] =	ssyncset.done $0x0  }
0xcc: {  	s8 =	sshra.s32 s8, $0x2;
	[sflag:s25] =	ssyncadd.s32 $0xFFFFDC00  }
0xcd: {  	[tilespmem:s28], [sflag:$0x4] =	stream.indirect.gather [hbm4b:s2+s13], $0x80, s8, s13, $0xb8;
	[tilespmem:$0x1F600] =	vst v63  }
0xce: {  	s10 =	simm.s32 $0x0;
	s8 =	sadd.s32 $0x80, s8  }
0xcf: {  	[tilespmem:s30], [sflag:$0x4] =	stream.indirect.gather [hbm4b:s2+s15], $0x80, s8, s15, $0xb8;
	[tilespmem:$0x1F600] =	vst v63  }
0xd0: {  	v0 =	vld [tilespmem:s10+$0x6470]  }
0xd1: {  	v2 =	vld [tilespmem:s10+$0x6400]  }
0xd2: {  	v3 =	vld [tilespmem:s10+$0x6410]  }
0xd3: {  	v11 =	vld [tilespmem:s10+$0x6420]  }
0xd4: {  	v9 =	vld [tilespmem:s10+$0x6430]  }
0xd5: {  	v1 =	vimm.f32 $0.0e+00;
	v5 =	vimm.f32 $0.0e+00;
	v6 =	vld [tilespmem:s10+$0x6440]  }
0xd6: {  	v10 =	vimm.f32 $0.0e+00;
	v7 =	vimm.f32 $0.0e+00;
	v8 =	vld [tilespmem:s10+$0x6450];
	v0 =	vadd.f32 v0, v1  }
0xd7: {  	s22 =	sshll.u32 s6, $0x2;
	s9 =	simm.s32 $0x400;
	s8 =	simm.s32 $0x80;
	v12 =	vld [tilespmem:s10+$0x6460];
	v4 =	vadd.f32 v2, v1;
	v3 =	vadd.f32 v3, v1;
	v2 =	vimm.f32 $0.0e+00  }
.LBB2_11:
0xd8: {  	p0 =	sne.s32 s9, $0x18E00;
	v13 =	vld [tilespmem:s8+$0x6470];
	v1 =	vadd.f32 v11, v1  }
0xd9: {  	v14 =	vld [tilespmem:s8+$0x6400];
	v5 =	vadd.f32 v9, v5  }
0xda: {  	v15 =	vld [tilespmem:s8+$0x6410];
	v10 =	vadd.f32 v6, v10  }
.Ltmp4:
0xdb: {  	v11 =	vld [tilespmem:s8+$0x6420];
	v7 =	vadd.f32 v8, v7;
	(pc) =	sbr.rel @p0 .LBB2_11-.Ltmp4, $4  }
0xdc: {  	v9 =	vld [tilespmem:s8+$0x6430];
	v2 =	vadd.f32 v12, v2  }
0xdd: {  	v6 =	vld [tilespmem:s8+$0x6440];
	v0 =	vadd.f32 v13, v0  }
0xde: {  	v4 =	vadd.f32 v14, v4;
	v8 =	vld [tilespmem:s8+$0x6450]  }
0xdf: {  	v3 =	vadd.f32 v15, v3;
	v12 =	vld [tilespmem:s8+$0x6460];
	s8 =	sshra.s32 s9, $0x2;
	s9 =	sadd.s32 $0x200, s9  }
0xe0: {  	v13 =	vld [tilespmem:s8+$0x6470]  }
0xe1: {  	v14 =	vld [tilespmem:s8+$0x6400]  }
0xe2: {  	v15 =	vld [tilespmem:s8+$0x6410]  }
0xe3: {  	v16 =	vld [tilespmem:s8+$0x6420]  }
0xe4: {  	v17 =	vld [tilespmem:s8+$0x6430]  }
0xe5: {  	v18 =	vld [tilespmem:s8+$0x6440]  }
0xe6: {  	v19 =	vld [tilespmem:s8+$0x6450]  }
0xe7: {  	v20 =	vld [tilespmem:s8+$0x6460];
	_ =	swait.ge [sflag:s17], $0x80  }
0xe8: {  	v1 =	vadd.f32 v11, v1;
	[sflag:s17] =	ssyncset.done $0x0;
	v4 =	vadd.f32 v14, v4  }
0xe9: {  	v5 =	vadd.f32 v9, v5;
	[sflag:s17] =	ssyncadd.s32 $0xFFFFFF80;
	v3 =	vadd.f32 v15, v3  }
0xea: {  	v1 =	vadd.f32 v16, v1;
	[tilespmem:$0x1F400] =	vst v4  }
0xeb: {  	v2 =	vadd.f32 v12, v2;
	v5 =	vadd.f32 v17, v5;
	[tilespmem:$0x1F410] =	vst v3  }
0xec: {  	v6 =	vadd.f32 v6, v10;
	v0 =	vadd.f32 v13, v0;
	[tilespmem:$0x1F420] =	vst v1  }
0xed: {  	v2 =	vadd.f32 v20, v2;
	v4 =	vadd.f32 v8, v7;
	[tilespmem:$0x1F430] =	vst v5  }
0xee: {  	s24 =	sadd.s32 s7, s22;
	v3 =	vadd.f32 v18, v6;
	[tilespmem:$0x1F470] =	vst v0  }
0xef: {  	s8 =	sshll.u32 s24, $0x4;
	[tilespmem:$0x1F460] =	vst v2;
	v1 =	vadd.f32 v19, v4  }
0xf0: {  	s8 =	sand.u32 $0x1FFFFFC0, s8;
	[tilespmem:$0x1F440] =	vst v3  }
0xf1: {  	s8 =	sadd.s32 s4, s8;
	[tilespmem:$0x1F450] =	vst v1  }
0xf2: {  	[hbm4b:s8+s3] =	stream.linear.scatter [tilespmem:s31], [sflag:$0x5], $0x80, $0x38;
	[tilespmem:$0x1F600] =	vst v63  }
0xf3: {  	_ =	swait.ge [sflag:s0], $0x4000  }
0xf4: {  	p0 =	seq.s32 s6, $0x1F;
	[sflag:s0] =	ssyncset.done $0x0  }
0xf5: {  	s8 =	smul.u32 @!p0 $0xC80, s6;
	[sflag:s0] =	ssyncadd.s32 $0xFFFFC000  }
0xf6: {  	s11 =	simm.s32 $0x0;
	_ =	swait.ge [sflag:s0], $0x2400  }
0xf7: {  	s10 =	simm.s32 @!p0 $0x80;
	s8 =	sshra.s32 @!p0 s8, $0x2;
	[sflag:s0] =	ssyncset.done $0x0  }
0xf8: {  	s24 =	simm.s32 @!p0 $0x6400;
	s9 =	sadd.s32 @!p0 $0x320, s8;
	[sflag:s0] =	ssyncadd.s32 $0xFFFFDC00  }
0xf9: {  	[tilespmem:s24], [sflag:$0x1] =	stream.indirect.gather @!p0 [hbm4b:s2+s10], $0x80, s9, s10, $0xb8;
	[tilespmem:$0x1F600] =	vst v63  }
0xfa: {  	s9 =	sadd.s32 @!p0 $0x3A0, s8;
	s10 =	simm.s32 @!p0 $0x48;
	s24 =	simm.s32 @!p0 $0xA400  }
0xfb: {  	[tilespmem:s24], [sflag:$0x1] =	stream.indirect.gather @!p0 [hbm4b:s2+s10], $0x80, s9, s10, $0xb8;
	[tilespmem:$0x1F600] =	vst v63  }
0xfc: {  	v0 =	vld [tilespmem:s11+$0xC870]  }
0xfd: {  	v2 =	vld [tilespmem:s11+$0xC800]  }
0xfe: {  	v3 =	vld [tilespmem:s11+$0xC810]  }
0xff: {  	v11 =	vld [tilespmem:s11+$0xC820]  }
0x100: {  	v9 =	vld [tilespmem:s11+$0xC830]  }
0x101: {  	v10 =	vimm.f32 $0.0e+00;
	v1 =	vimm.f32 $0.0e+00;
	v6 =	vld [tilespmem:s11+$0xC840]  }
0x102: {  	v5 =	vimm.f32 $0.0e+00;
	v7 =	vimm.f32 $0.0e+00;
	v8 =	vld [tilespmem:s11+$0xC850];
	v0 =	vadd.f32 v0, v1  }
0x103: {  	s9 =	sor.u32 $0x1, s22;
	s10 =	simm.s32 $0x80;
	s24 =	simm.s32 $0x400;
	v12 =	vld [tilespmem:s11+$0xC860];
	v4 =	vadd.f32 v2, v1;
	v3 =	vadd.f32 v3, v1;
	v2 =	vimm.f32 $0.0e+00  }
.LBB2_13:
0x104: {  	p1 =	sne.s32 s24, $0x18E00;
	v13 =	vld [tilespmem:s10+$0xC870];
	v1 =	vadd.f32 v11, v1  }
0x105: {  	v14 =	vld [tilespmem:s10+$0xC800];
	v5 =	vadd.f32 v9, v5  }
0x106: {  	v15 =	vld [tilespmem:s10+$0xC810];
	v10 =	vadd.f32 v6, v10  }
.Ltmp5:
0x107: {  	v11 =	vld [tilespmem:s10+$0xC820];
	v7 =	vadd.f32 v8, v7;
	(pc) =	sbr.rel @p1 .LBB2_13-.Ltmp5, $4  }
0x108: {  	v9 =	vld [tilespmem:s10+$0xC830];
	v2 =	vadd.f32 v12, v2  }
0x109: {  	v6 =	vld [tilespmem:s10+$0xC840];
	v0 =	vadd.f32 v13, v0  }
0x10a: {  	v4 =	vadd.f32 v14, v4;
	v8 =	vld [tilespmem:s10+$0xC850]  }
0x10b: {  	v3 =	vadd.f32 v15, v3;
	v12 =	vld [tilespmem:s10+$0xC860];
	s10 =	sshra.s32 s24, $0x2;
	s24 =	sadd.s32 $0x200, s24  }
0x10c: {  	v13 =	vld [tilespmem:s10+$0xC870]  }
0x10d: {  	v14 =	vld [tilespmem:s10+$0xC800]  }
0x10e: {  	v15 =	vld [tilespmem:s10+$0xC810]  }
0x10f: {  	v16 =	vld [tilespmem:s10+$0xC820]  }
0x110: {  	v17 =	vld [tilespmem:s10+$0xC830]  }
0x111: {  	v18 =	vld [tilespmem:s10+$0xC840]  }
0x112: {  	v19 =	vld [tilespmem:s10+$0xC850]  }
0x113: {  	v20 =	vld [tilespmem:s10+$0xC860];
	_ =	swait.ge [sflag:s23], $0x80  }
0x114: {  	v1 =	vadd.f32 v11, v1;
	[sflag:s23] =	ssyncset.done $0x0;
	v4 =	vadd.f32 v14, v4  }
0x115: {  	v5 =	vadd.f32 v9, v5;
	[sflag:s23] =	ssyncadd.s32 $0xFFFFFF80;
	v3 =	vadd.f32 v15, v3  }
0x116: {  	v1 =	vadd.f32 v16, v1;
	[tilespmem:$0x1F480] =	vst v4  }
0x117: {  	v2 =	vadd.f32 v12, v2;
	v5 =	vadd.f32 v17, v5;
	[tilespmem:$0x1F490] =	vst v3  }
0x118: {  	v6 =	vadd.f32 v6, v10;
	v0 =	vadd.f32 v13, v0;
	[tilespmem:$0x1F4A0] =	vst v1  }
0x119: {  	v2 =	vadd.f32 v20, v2;
	v4 =	vadd.f32 v8, v7;
	[tilespmem:$0x1F4B0] =	vst v5  }
0x11a: {  	s9 =	sadd.s32 s7, s9;
	v3 =	vadd.f32 v18, v6;
	[tilespmem:$0x1F4F0] =	vst v0  }
0x11b: {  	s9 =	sshll.u32 s9, $0x4;
	[tilespmem:$0x1F4E0] =	vst v2;
	v1 =	vadd.f32 v19, v4  }
0x11c: {  	s9 =	sand.u32 $0x1FFFFFD0, s9;
	[tilespmem:$0x1F4C0] =	vst v3  }
0x11d: {  	s9 =	sadd.s32 s4, s9;
	[tilespmem:$0x1F4D0] =	vst v1  }
0x11e: {  	[hbm4b:s9+s3] =	stream.linear.scatter [tilespmem:s19], [sflag:$0x6], $0x80, $0x38;
	[tilespmem:$0x1F600] =	vst v63  }
0x11f: {  	_ =	swait.ge [sflag:s21], $0x4000  }
0x120: {  	[sflag:s21] =	ssyncset.done $0x0  }
0x121: {  	[sflag:s21] =	ssyncadd.s32 $0xFFFFC000  }
0x122: {  	_ =	swait.ge [sflag:s21], $0x2400  }
0x123: {  	s10 =	simm.s32 @!p0 $0x80;
	s11 =	simm.s32 @!p0 $0xC800;
	[sflag:s21] =	ssyncset.done $0x0  }
0x124: {  	s24 =	simm.s32 $0x0;
	s9 =	sadd.s32 @!p0 $0x3E8, s8;
	[sflag:s21] =	ssyncadd.s32 $0xFFFFDC00  }
0x125: {  	[tilespmem:s11], [sflag:$0x2] =	stream.indirect.gather @!p0 [hbm4b:s2+s10], $0x80, s9, s10, $0xb8;
	[tilespmem:$0x1F600] =	vst v63  }
0x126: {  	s9 =	sadd.s32 @!p0 $0x468, s8;
	s10 =	simm.s32 @!p0 $0x48;
	s11 =	simm.s32 @!p0 $0x10800  }
0x127: {  	[tilespmem:s11], [sflag:$0x2] =	stream.indirect.gather @!p0 [hbm4b:s2+s10], $0x80, s9, s10, $0xb8;
	[tilespmem:$0x1F600] =	vst v63  }
0x128: {  	v0 =	vld [tilespmem:s24+$0x12C70]  }
0x129: {  	v2 =	vld [tilespmem:s24+$0x12C00]  }
0x12a: {  	v3 =	vld [tilespmem:s24+$0x12C10]  }
0x12b: {  	v11 =	vld [tilespmem:s24+$0x12C20]  }
0x12c: {  	v9 =	vld [tilespmem:s24+$0x12C30]  }
0x12d: {  	v10 =	vimm.f32 $0.0e+00;
	v1 =	vimm.f32 $0.0e+00;
	v6 =	vld [tilespmem:s24+$0x12C40]  }
0x12e: {  	v5 =	vimm.f32 $0.0e+00;
	v7 =	vimm.f32 $0.0e+00;
	v8 =	vld [tilespmem:s24+$0x12C50];
	v0 =	vadd.f32 v0, v1  }
0x12f: {  	s9 =	sor.u32 $0x2, s22;
	s10 =	simm.s32 $0x80;
	s22 =	simm.s32 $0x400;
	v12 =	vld [tilespmem:s24+$0x12C60];
	v4 =	vadd.f32 v2, v1;
	v3 =	vadd.f32 v3, v1;
	v2 =	vimm.f32 $0.0e+00  }
.LBB2_15:
0x130: {  	p1 =	sne.s32 s22, $0x18E00;
	v13 =	vld [tilespmem:s10+$0x12C70];
	v1 =	vadd.f32 v11, v1  }
0x131: {  	v14 =	vld [tilespmem:s10+$0x12C00];
	v5 =	vadd.f32 v9, v5  }
0x132: {  	v15 =	vld [tilespmem:s10+$0x12C10];
	v10 =	vadd.f32 v6, v10  }
.Ltmp6:
0x133: {  	v11 =	vld [tilespmem:s10+$0x12C20];
	v7 =	vadd.f32 v8, v7;
	(pc) =	sbr.rel @p1 .LBB2_15-.Ltmp6, $4  }
0x134: {  	v9 =	vld [tilespmem:s10+$0x12C30];
	v2 =	vadd.f32 v12, v2  }
0x135: {  	v6 =	vld [tilespmem:s10+$0x12C40];
	v0 =	vadd.f32 v13, v0  }
0x136: {  	v4 =	vadd.f32 v14, v4;
	v8 =	vld [tilespmem:s10+$0x12C50]  }
0x137: {  	v3 =	vadd.f32 v15, v3;
	v12 =	vld [tilespmem:s10+$0x12C60];
	s10 =	sshra.s32 s22, $0x2;
	s22 =	sadd.s32 $0x200, s22  }
0x138: {  	v13 =	vld [tilespmem:s10+$0x12C70]  }
0x139: {  	v14 =	vld [tilespmem:s10+$0x12C00]  }
0x13a: {  	v15 =	vld [tilespmem:s10+$0x12C10]  }
0x13b: {  	v16 =	vld [tilespmem:s10+$0x12C20]  }
0x13c: {  	v17 =	vld [tilespmem:s10+$0x12C30]  }
0x13d: {  	v18 =	vld [tilespmem:s10+$0x12C40]  }
0x13e: {  	v19 =	vld [tilespmem:s10+$0x12C50]  }
0x13f: {  	v20 =	vld [tilespmem:s10+$0x12C60];
	_ =	swait.ge [sflag:s14], $0x80  }
0x140: {  	v1 =	vadd.f32 v11, v1;
	[sflag:s14] =	ssyncset.done $0x0;
	v4 =	vadd.f32 v14, v4  }
0x141: {  	v5 =	vadd.f32 v9, v5;
	[sflag:s14] =	ssyncadd.s32 $0xFFFFFF80;
	v3 =	vadd.f32 v15, v3  }
0x142: {  	v1 =	vadd.f32 v16, v1;
	[tilespmem:$0x1F500] =	vst v4  }
0x143: {  	v2 =	vadd.f32 v12, v2;
	v5 =	vadd.f32 v17, v5;
	[tilespmem:$0x1F510] =	vst v3  }
0x144: {  	v6 =	vadd.f32 v6, v10;
	v0 =	vadd.f32 v13, v0;
	[tilespmem:$0x1F520] =	vst v1  }
0x145: {  	v2 =	vadd.f32 v20, v2;
	v4 =	vadd.f32 v8, v7;
	[tilespmem:$0x1F530] =	vst v5  }
0x146: {  	s9 =	sadd.s32 s7, s9;
	v3 =	vadd.f32 v18, v6;
	[tilespmem:$0x1F570] =	vst v0  }
0x147: {  	s9 =	sshll.u32 s9, $0x4;
	[tilespmem:$0x1F560] =	vst v2;
	v1 =	vadd.f32 v19, v4  }
0x148: {  	s9 =	sand.u32 $0x1FFFFFE0, s9;
	[tilespmem:$0x1F540] =	vst v3  }
0x149: {  	s9 =	sadd.s32 s4, s9;
	[tilespmem:$0x1F550] =	vst v1  }
0x14a: {  	[hbm4b:s9+s3] =	stream.linear.scatter [tilespmem:s29], [sflag:$0x7], $0x80, $0x38;
	[tilespmem:$0x1F600] =	vst v63  }
0x14b: {  	_ =	swait.ge [sflag:s1], $0x4000  }
0x14c: {  	[sflag:s1] =	ssyncset.done $0x0  }
0x14d: {  	[sflag:s1] =	ssyncadd.s32 $0xFFFFC000  }
0x14e: {  	_ =	swait.ge [sflag:s1], $0x2400  }
0x14f: {  	s10 =	simm.s32 @!p0 $0x80;
	s11 =	simm.s32 @!p0 $0x12C00;
	[sflag:s1] =	ssyncset.done $0x0  }
0x150: {  	s24 =	simm.s32 $0x0;
	s9 =	sadd.s32 @!p0 $0x4B0, s8;
	[sflag:s1] =	ssyncadd.s32 $0xFFFFDC00  }
0x151: {  	[tilespmem:s11], [sflag:$0x3] =	stream.indirect.gather @!p0 [hbm4b:s2+s10], $0x80, s9, s10, $0xb8;
	[tilespmem:$0x1F600] =	vst v63  }
0x152: {  	s8 =	sadd.s32 @!p0 $0x530, s8;
	s9 =	simm.s32 @!p0 $0x48;
	s10 =	simm.s32 @!p0 $0x16C00  }
0x153: {  	[tilespmem:s10], [sflag:$0x3] =	stream.indirect.gather @!p0 [hbm4b:s2+s9], $0x80, s8, s9, $0xb8;
	[tilespmem:$0x1F600] =	vst v63  }
0x154: {  	v0 =	vld [tilespmem:s24+$0x19070]  }
0x155: {  	v2 =	vld [tilespmem:s24+$0x19000]  }
0x156: {  	v3 =	vld [tilespmem:s24+$0x19010]  }
0x157: {  	v11 =	vld [tilespmem:s24+$0x19020]  }
0x158: {  	v10 =	vld [tilespmem:s24+$0x19030]  }
0x159: {  	v6 =	vimm.f32 $0.0e+00;
	v1 =	vimm.f32 $0.0e+00;
	v7 =	vld [tilespmem:s24+$0x19040]  }
0x15a: {  	v8 =	vimm.f32 $0.0e+00;
	v4 =	vimm.f32 $0.0e+00;
	v9 =	vld [tilespmem:s24+$0x19050];
	v0 =	vadd.f32 v0, v1  }
0x15b: {  	s8 =	simm.s32 $0x80;
	s9 =	simm.s32 $0x400;
	v12 =	vld [tilespmem:s24+$0x19060];
	v5 =	vadd.f32 v2, v1;
	v3 =	vadd.f32 v3, v1;
	v2 =	vimm.f32 $0.0e+00  }
.LBB2_17:
0x15c: {  	p0 =	sne.s32 s9, $0x18E00;
	v13 =	vld [tilespmem:s8+$0x19070];
	v1 =	vadd.f32 v11, v1  }
0x15d: {  	v14 =	vld [tilespmem:s8+$0x19000];
	v6 =	vadd.f32 v10, v6  }
0x15e: {  	v15 =	vld [tilespmem:s8+$0x19010];
	v8 =	vadd.f32 v7, v8  }
.Ltmp7:
0x15f: {  	v11 =	vld [tilespmem:s8+$0x19020];
	v4 =	vadd.f32 v9, v4;
	(pc) =	sbr.rel @p0 .LBB2_17-.Ltmp7, $4  }
0x160: {  	v10 =	vld [tilespmem:s8+$0x19030];
	v2 =	vadd.f32 v12, v2  }
0x161: {  	v7 =	vld [tilespmem:s8+$0x19040];
	v0 =	vadd.f32 v13, v0  }
0x162: {  	v5 =	vadd.f32 v14, v5;
	v9 =	vld [tilespmem:s8+$0x19050]  }
0x163: {  	v3 =	vadd.f32 v15, v3;
	v12 =	vld [tilespmem:s8+$0x19060];
	s8 =	sshra.s32 s9, $0x2;
	s9 =	sadd.s32 $0x200, s9  }
0x164: {  	v13 =	vld [tilespmem:s8+$0x19070]  }
0x165: {  	v14 =	vld [tilespmem:s8+$0x19000]  }
0x166: {  	v15 =	vld [tilespmem:s8+$0x19010]  }
0x167: {  	v16 =	vld [tilespmem:s8+$0x19020]  }
0x168: {  	v17 =	vld [tilespmem:s8+$0x19030]  }
0x169: {  	v18 =	vld [tilespmem:s8+$0x19040]  }
0x16a: {  	v19 =	vld [tilespmem:s8+$0x19050]  }
0x16b: {  	v20 =	vld [tilespmem:s8+$0x19060];
	_ =	swait.ge [sflag:s16], $0x80  }
0x16c: {  	v1 =	vadd.f32 v11, v1;
	[sflag:s16] =	ssyncset.done $0x0;
	v5 =	vadd.f32 v14, v5  }
0x16d: {  	v6 =	vadd.f32 v10, v6;
	[sflag:s16] =	ssyncadd.s32 $0xFFFFFF80;
	v3 =	vadd.f32 v15, v3  }
0x16e: {  	v7 =	vadd.f32 v7, v8;
	v1 =	vadd.f32 v16, v1;
	[tilespmem:$0x1F580] =	vst v5  }
0x16f: {  	v4 =	vadd.f32 v9, v4;
	v61 =	vadd.f32 v17, v6;
	[tilespmem:$0x1F590] =	vst v3  }
0x170: {  	s6 =	sadd.s32 $0x1, s6;
	v62 =	vadd.f32 v18, v7;
	[tilespmem:$0x1F5A0] =	vst v1  }
0x171: {  	p0 =	sne.s32 s6, $0x20;
	v2 =	vadd.f32 v12, v2;
	v63 =	vadd.f32 v19, v4;
	[tilespmem:$0x1F5B0] =	vst v61  }
.Ltmp8:
0x172: {  	s24 =	sadd.s32 s7, s20;
	v0 =	vadd.f32 v13, v0;
	[tilespmem:$0x1F5C0] =	vst v62;
	(pc) =	sbr.rel @p0 .LBB2_10-.Ltmp8, $4  }
0x173: {  	s8 =	sshll.u32 s24, $0x4;
	v2 =	vadd.f32 v20, v2;
	[tilespmem:$0x1F5D0] =	vst v63  }
0x174: {  	s8 =	sand.u32 $0x1FFFFFF0, s8;
	[tilespmem:$0x1F5F0] =	vst v0  }
0x175: {  	s8 =	sadd.s32 s4, s8;
	[tilespmem:$0x1F5E0] =	vst v2  }
0x176: {  	[hbm4b:s8+s3] =	stream.linear.scatter [tilespmem:s26], [sflag:$0x8], $0x80, $0x38;
	[tilespmem:$0x1F600] =	vst v63  }
0x177: {  	_ =	swait.ge [sflag:s17], $0x80  }
0x178: {  	[sflag:s17] =	ssyncset.done $0x0  }
0x179: {  	[sflag:s17] =	ssyncadd.s32 $0xFFFFFF80  }
0x17a: {  	_ =	swait.ge [sflag:s23], $0x80  }
0x17b: {  	[sflag:s23] =	ssyncset.done $0x0  }
0x17c: {  	[sflag:s23] =	ssyncadd.s32 $0xFFFFFF80  }
0x17d: {  	_ =	swait.ge [sflag:s14], $0x80  }
0x17e: {  	[sflag:s14] =	ssyncset.done $0x0  }
0x17f: {  	[sflag:s14] =	ssyncadd.s32 $0xFFFFFF80  }
0x180: {  	_ =	swait.ge [sflag:s16], $0x80  }
0x181: {  	s18 =	sadd.s32 $0x1, s18;
	s6 =	rddreg [dreg:$0x7]  }
0x182: {  	p0 =	sne.s32 s18, s6  }
.Ltmp9:
0x183: {  	_ = 	snop;
	(pc) =	sbr.rel @p0 .LBB2_1-.Ltmp9, $3  }
0x184: {  	_ =	sdelay $0x1  }
0x185: {  	s10 =	simm.s32 $0x6400;
	s11 =	simm.s32 $0xA400;
	[sflag:s16] =	ssyncset.done $0x0  }
0x186: {  	s20 =	simm.s32 $0xC800;
	s22 =	simm.s32 $0x10800;
	[sflag:s16] =	ssyncadd.s32 $0xFFFFFF80  }
0x187: {  	_ =	sfence.sel $0x180000  }
0x188: {  	[bflag:$0x0] =	sbarrier.arrive $0xFFFF  }
0x189: {  	_ =	strace $0x90000047  }
0x18a: {  	s0 =	stileid.u32;
	[bflag:$0x2] =	sbarrier.arrive $0xFFFF  }
0x18b: {  	p0 =	sne.s32 s0, $0x0;
	s0 =	rddreg [dreg:$0x2]  }
0x18c: {  	s0 =	sadd.s32 @!p0 $0x100000, s0  }
0x18d: {  	[sflag:s0] =	ssyncadd.tile.s32 @!p0 $0x1;
	_ =	shalt  }
.Lfunc_end2:
_tile_overlayer_lowered:
.L_overlay_start_2:
0x18e: {  	(tag) =	ssettag $0x2  }
0x18f: {  	s0 =	rddreg [dreg:$0x0];
	s2 =	stileid.u32  }
0x190: {  	s1 =	rddreg [dreg:$0x1];
	p0 =	sne.s32 s2, $0x0  }
0x191: {  	s3 =	rddreg [dreg:$0x2];
	[bflag:$0x3] =	sbarrier.arrive $0xFFFF;
	s2 =	simm.s32 @!p0 $0x1C09  }
0x192: {  	[timem:s3], [sflag:s2] =	dma.local @!p0 [hbm:s0], s1  }
0x193: {  	s0 =	simm.s32 @!p0 $0x9  }
0x194: {  	_ =	swait.ge @!p0 [sflag:s0], s1  }
0x195: {  	s1 =	ssub.s32 @!p0 $0x0, s1;
	[sflag:s0] =	ssyncset.done @!p0 $0x0  }
0x196: {  	[sflag:s0] =	ssyncadd.s32 @!p0 s1  }
0x197: {  	[bflag:$0x3] =	sbarrier.arrive $0xFFFF  }
0x198: {  	_ =	shalt  }

</sc_bundles>
